<compile_context>
chip_gen: v7x
topology: tpu7x:2x2x1
jax: 0.10.2.dev20260603
libtpu: 0.0.44.dev20260713+nightly
codegen_flags: <defaults>
</compile_context>

<pallas_src>
import functools

import jax
import jax.numpy as jnp
from jax import lax
from jax.experimental import pallas as pl
from jax.experimental.pallas import tpu as pltpu
from jax.experimental.pallas import tpu_sc as plsc

_NUM_WORKERS = 32
_CHUNK_ROWS = 32
_NBUF = 3


def _sc_body(batch, seq_len, d, table_hbm, out_hbm, bufs, gsem, ssem):
    c = lax.axis_index("c")
    s = lax.axis_index("s")
    wid = c * 16 + s
    rows_per_w = seq_len // _NUM_WORKERS
    base = wid * rows_per_w
    n = rows_per_w // _CHUNK_ROWS

    def gather(i, slot):
        src = table_hbm.at[pl.ds(base + i * _CHUNK_ROWS, _CHUNK_ROWS)]
        return pltpu.async_copy(src, bufs.at[slot], gsem)

    def scatter(i, slot, b):
        dst = out_hbm.at[b, pl.ds(base + i * _CHUNK_ROWS, _CHUNK_ROWS)]
        return pltpu.async_copy(bufs.at[slot], dst, ssem)

    gh = {}
    sh = {}
    drained = set()
    gh[0] = gather(0, 0)
    if n > 1:
        gh[1] = gather(1, 1)
    for i in range(n):
        gh[i].wait()
        sh[i] = [scatter(i, i % _NBUF, b) for b in range(batch)]
        nxt = i + 2
        if nxt < n:
            prev = nxt - _NBUF
            if prev >= 0:
                for h in sh[prev]:
                    h.wait()
                drained.add(prev)
            gh[nxt] = gather(nxt, nxt % _NBUF)
    for i in range(n):
        if i not in drained:
            for h in sh[i]:
                h.wait()


def kernel(x, table):
    batch, seq_len, d = x.shape
    mesh = plsc.VectorSubcoreMesh(core_axis_name="c", subcore_axis_name="s")
    k = pl.kernel(
        functools.partial(_sc_body, batch, seq_len, d),
        mesh=mesh,
        out_type=jax.ShapeDtypeStruct((batch, seq_len, d), x.dtype),
        scratch_types=[
            pltpu.VMEM((_NBUF, _CHUNK_ROWS, d), jnp.float32),
            pltpu.SemaphoreType.DMA,
            pltpu.SemaphoreType.DMA,
        ],
    )
    return k(table)

# --- scband reference (transcript-rebuilt; emitter-appended) ---
"""Pipeline reference for scband-learnable-positional-embedding-33036888441203 (READ-ONLY COPY).

The authoritative reference and input builder live on the scoring server;
editing this copy changes nothing except your own understanding.
"""

import jax, jax.numpy as jnp
import numpy as np


def setup_inputs(seed: int = 0) -> dict:
    key = jax.random.key(seed)
    k1, k2 = jax.random.split(key)
    x = jax.random.normal(k1, (4, 4096, 1024), dtype=jnp.float32)
    # nn.Embedding weight: (max_len, d_model) = (8192, 1024)
    table = jax.random.normal(k2, (8192, 1024), dtype=jnp.float32)
    return {"x": x, "table": table}


def reference(x, table):
    batch_size, seq_length, _ = x.shape
    positions = jnp.arange(seq_length, dtype=jnp.int32)  # (seq_len,)
    emb = jnp.take(table, positions, axis=0)  # (seq_len, d_model)
    out = jnp.broadcast_to(emb[None, :, :], (batch_size, seq_length, emb.shape[-1]))
    return out

if __name__ == "__main__":
    import jax
    _d = setup_inputs()
    print(jax.jit(kernel)(*tuple(_d.values())))

</pallas_src>

<mosaic_0001>
#map = affine_map<(d0, d1) -> (0, 0)>
#map1 = affine_map<(d0, d1) -> (0, 0, 0)>
module attributes {stable_mosaic.version = 14 : i64} {
  func.func @_sc_body(%arg0: i32, %arg1: i32, %arg2: memref<8192x1024xf32, #tpu.memory_space<hbm>>, %arg3: memref<4x4096x1024xf32, #tpu.memory_space<hbm>>, %arg4: memref<3x32x1024xf32, #tpu.memory_space<vmem>>, %arg5: memref<!tpu.dma_semaphore, #tpu.memory_space<semaphore_mem>>, %arg6: memref<!tpu.dma_semaphore, #tpu.memory_space<semaphore_mem>>) attributes {dimension_semantics = [#tpu.dimension_semantics<core_parallel>, #tpu.dimension_semantics<subcore_parallel>], iteration_bounds = array<i64: 2, 16>, scalar_prefetch = 0 : i64, scratch_operands = 3 : i64, tpu.core_type = #tpu.core_type<sc_vector_subcore>, window_params = [{transform_indices = #map}, {transform_indices = #map1}]} {
    %mul3A = arith.constant 16 : i32
    %mul3A_0 = arith.muli %arg0, %mul3A : i32
    %add3A = arith.addi %mul3A_0, %arg1 : i32
    %mul3A_1 = arith.constant 128 : i32
    %mul3A_2 = arith.muli %add3A, %mul3A_1 : i32
    %add3A_3 = arith.constant 0 : i32
    %add3A_4 = arith.addi %mul3A_2, %add3A_3 : i32
    %dma_start3A = arith.constant 0 : i32
    %dma_start3A_5 = arith.constant 0 : i32
    %dma_start3A_6 = arith.constant 0 : i32
    %dma_start3A_7 = tpu.memref_slice %arg4[%dma_start3A, %dma_start3A_5, %dma_start3A_6] : memref<3x32x1024xf32, #tpu.memory_space<vmem>> -> memref<1x32x1024xf32, #tpu.memory_space<vmem>>
    %dma_start3A_8 = tpu.memref_squeeze %dma_start3A_7 : memref<1x32x1024xf32, #tpu.memory_space<vmem>> -> memref<32x1024xf32, #tpu.memory_space<vmem>>
    %dma_start3A_9 = arith.constant 0 : i32
    %dma_start3A_10 = tpu.memref_slice %arg2[%add3A_4, %dma_start3A_9] : memref<8192x1024xf32, #tpu.memory_space<hbm>> -> memref<32x1024xf32, #tpu.memory_space<hbm>>
    %dma_start3A_11 = arith.constant 0 : i32
    %dma_start3A_12 = arith.constant 0 : i32
    %dma_start3A_13 = tpu.memref_slice %arg4[%dma_start3A, %dma_start3A_11, %dma_start3A_12] : memref<3x32x1024xf32, #tpu.memory_space<vmem>> -> memref<1x32x1024xf32, #tpu.memory_space<vmem>>
    %dma_start3A_14 = tpu.memref_squeeze %dma_start3A_13 : memref<1x32x1024xf32, #tpu.memory_space<vmem>> -> memref<32x1024xf32, #tpu.memory_space<vmem>>
    %dma_start3A_15 = arith.constant 0 : i32
    %dma_start3A_16 = tpu.memref_slice %arg2[%add3A_4, %dma_start3A_15] : memref<8192x1024xf32, #tpu.memory_space<hbm>> -> memref<32x1024xf32, #tpu.memory_space<hbm>>
    tpu.enqueue_dma source(%dma_start3A_16 : memref<32x1024xf32, #tpu.memory_space<hbm>>) target(%dma_start3A_14 : memref<32x1024xf32, #tpu.memory_space<vmem>>) target_semaphore(%arg5 : memref<!tpu.dma_semaphore, #tpu.memory_space<semaphore_mem>>)
    %add3A_17 = arith.constant 32 : i32
    %add3A_18 = arith.addi %mul3A_2, %add3A_17 : i32
    %dma_start3A_19 = arith.constant 1 : i32
    %dma_start3A_20 = arith.constant 0 : i32
    %dma_start3A_21 = arith.constant 0 : i32
    %dma_start3A_22 = tpu.memref_slice %arg4[%dma_start3A_19, %dma_start3A_20, %dma_start3A_21] : memref<3x32x1024xf32, #tpu.memory_space<vmem>> -> memref<1x32x1024xf32, #tpu.memory_space<vmem>>
    %dma_start3A_23 = tpu.memref_squeeze %dma_start3A_22 : memref<1x32x1024xf32, #tpu.memory_space<vmem>> -> memref<32x1024xf32, #tpu.memory_space<vmem>>
    %dma_start3A_24 = arith.constant 0 : i32
    %dma_start3A_25 = tpu.memref_slice %arg2[%add3A_18, %dma_start3A_24] : memref<8192x1024xf32, #tpu.memory_space<hbm>> -> memref<32x1024xf32, #tpu.memory_space<hbm>>
    %dma_start3A_26 = arith.constant 0 : i32
    %dma_start3A_27 = arith.constant 0 : i32
    %dma_start3A_28 = tpu.memref_slice %arg4[%dma_start3A_19, %dma_start3A_26, %dma_start3A_27] : memref<3x32x1024xf32, #tpu.memory_space<vmem>> -> memref<1x32x1024xf32, #tpu.memory_space<vmem>>
    %dma_start3A_29 = tpu.memref_squeeze %dma_start3A_28 : memref<1x32x1024xf32, #tpu.memory_space<vmem>> -> memref<32x1024xf32, #tpu.memory_space<vmem>>
    %dma_start3A_30 = arith.constant 0 : i32
    %dma_start3A_31 = tpu.memref_slice %arg2[%add3A_18, %dma_start3A_30] : memref<8192x1024xf32, #tpu.memory_space<hbm>> -> memref<32x1024xf32, #tpu.memory_space<hbm>>
    tpu.enqueue_dma source(%dma_start3A_31 : memref<32x1024xf32, #tpu.memory_space<hbm>>) target(%dma_start3A_29 : memref<32x1024xf32, #tpu.memory_space<vmem>>) target_semaphore(%arg5 : memref<!tpu.dma_semaphore, #tpu.memory_space<semaphore_mem>>)
    %dma_wait3A = arith.constant 0 : i32
    %dma_wait3A_32 = arith.constant 0 : i32
    %dma_wait3A_33 = arith.constant 0 : i32
    %dma_wait3A_34 = tpu.memref_slice %arg4[%dma_wait3A, %dma_wait3A_32, %dma_wait3A_33] : memref<3x32x1024xf32, #tpu.memory_space<vmem>> -> memref<1x32x1024xf32, #tpu.memory_space<vmem>>
    %dma_wait3A_35 = tpu.memref_squeeze %dma_wait3A_34 : memref<1x32x1024xf32, #tpu.memory_space<vmem>> -> memref<32x1024xf32, #tpu.memory_space<vmem>>
    %dma_wait3A_36 = arith.constant 0 : i32
    %dma_wait3A_37 = tpu.memref_slice %arg2[%add3A_4, %dma_wait3A_36] : memref<8192x1024xf32, #tpu.memory_space<hbm>> -> memref<32x1024xf32, #tpu.memory_space<hbm>>
    %dma_wait3A_38 = arith.constant 0 : i32
    %dma_wait3A_39 = arith.constant 0 : i32
    %dma_wait3A_40 = tpu.memref_slice %arg4[%dma_wait3A, %dma_wait3A_38, %dma_wait3A_39] : memref<3x32x1024xf32, #tpu.memory_space<vmem>> -> memref<1x32x1024xf32, #tpu.memory_space<vmem>>
    %dma_wait3A_41 = tpu.memref_squeeze %dma_wait3A_40 : memref<1x32x1024xf32, #tpu.memory_space<vmem>> -> memref<32x1024xf32, #tpu.memory_space<vmem>>
    %dma_wait3A_42 = arith.constant 0 : i32
    %dma_wait3A_43 = tpu.memref_slice %arg2[%add3A_4, %dma_wait3A_42] : memref<8192x1024xf32, #tpu.memory_space<hbm>> -> memref<32x1024xf32, #tpu.memory_space<hbm>>
    tpu.wait_dma2 semaphore(%arg5 : memref<!tpu.dma_semaphore, #tpu.memory_space<semaphore_mem>>) src(%dma_wait3A_43 : memref<32x1024xf32, #tpu.memory_space<hbm>>) dst(%dma_wait3A_41 : memref<32x1024xf32, #tpu.memory_space<vmem>>)
    %add3A_44 = arith.constant 0 : i32
    %add3A_45 = arith.addi %mul3A_2, %add3A_44 : i32
    %dma_start3A_46 = arith.constant 0 : i32
    %dma_start3A_47 = arith.constant 0 : i32
    %dma_start3A_48 = arith.constant 0 : i32
    %dma_start3A_49 = arith.constant 0 : i32
    %dma_start3A_50 = tpu.memref_slice %arg4[%dma_start3A_46, %dma_start3A_48, %dma_start3A_49] : memref<3x32x1024xf32, #tpu.memory_space<vmem>> -> memref<1x32x1024xf32, #tpu.memory_space<vmem>>
    %dma_start3A_51 = tpu.memref_squeeze %dma_start3A_50 : memref<1x32x1024xf32, #tpu.memory_space<vmem>> -> memref<32x1024xf32, #tpu.memory_space<vmem>>
    %dma_start3A_52 = arith.constant 0 : i32
    %dma_start3A_53 = tpu.memref_slice %arg3[%dma_start3A_47, %add3A_45, %dma_start3A_52] : memref<4x4096x1024xf32, #tpu.memory_space<hbm>> -> memref<1x32x1024xf32, #tpu.memory_space<hbm>>
    %dma_start3A_54 = tpu.memref_squeeze %dma_start3A_53 : memref<1x32x1024xf32, #tpu.memory_space<hbm>> -> memref<32x1024xf32, #tpu.memory_space<hbm>>
    %dma_start3A_55 = arith.constant 0 : i32
    %dma_start3A_56 = tpu.memref_slice %arg3[%dma_start3A_47, %add3A_45, %dma_start3A_55] : memref<4x4096x1024xf32, #tpu.memory_space<hbm>> -> memref<1x32x1024xf32, #tpu.memory_space<hbm>>
    %dma_start3A_57 = tpu.memref_squeeze %dma_start3A_56 : memref<1x32x1024xf32, #tpu.memory_space<hbm>> -> memref<32x1024xf32, #tpu.memory_space<hbm>>
    %dma_start3A_58 = arith.constant 0 : i32
    %dma_start3A_59 = arith.constant 0 : i32
    %dma_start3A_60 = tpu.memref_slice %arg4[%dma_start3A_46, %dma_start3A_58, %dma_start3A_59] : memref<3x32x1024xf32, #tpu.memory_space<vmem>> -> memref<1x32x1024xf32, #tpu.memory_space<vmem>>
    %dma_start3A_61 = tpu.memref_squeeze %dma_start3A_60 : memref<1x32x1024xf32, #tpu.memory_space<vmem>> -> memref<32x1024xf32, #tpu.memory_space<vmem>>
    tpu.enqueue_dma source(%dma_start3A_61 : memref<32x1024xf32, #tpu.memory_space<vmem>>) target(%dma_start3A_57 : memref<32x1024xf32, #tpu.memory_space<hbm>>) target_semaphore(%arg6 : memref<!tpu.dma_semaphore, #tpu.memory_space<semaphore_mem>>)
    %add3A_62 = arith.constant 0 : i32
    %add3A_63 = arith.addi %mul3A_2, %add3A_62 : i32
    %dma_start3A_64 = arith.constant 0 : i32
    %dma_start3A_65 = arith.constant 1 : i32
    %dma_start3A_66 = arith.constant 0 : i32
    %dma_start3A_67 = arith.constant 0 : i32
    %dma_start3A_68 = tpu.memref_slice %arg4[%dma_start3A_64, %dma_start3A_66, %dma_start3A_67] : memref<3x32x1024xf32, #tpu.memory_space<vmem>> -> memref<1x32x1024xf32, #tpu.memory_space<vmem>>
    %dma_start3A_69 = tpu.memref_squeeze %dma_start3A_68 : memref<1x32x1024xf32, #tpu.memory_space<vmem>> -> memref<32x1024xf32, #tpu.memory_space<vmem>>
    %dma_start3A_70 = arith.constant 0 : i32
    %dma_start3A_71 = tpu.memref_slice %arg3[%dma_start3A_65, %add3A_63, %dma_start3A_70] : memref<4x4096x1024xf32, #tpu.memory_space<hbm>> -> memref<1x32x1024xf32, #tpu.memory_space<hbm>>
    %dma_start3A_72 = tpu.memref_squeeze %dma_start3A_71 : memref<1x32x1024xf32, #tpu.memory_space<hbm>> -> memref<32x1024xf32, #tpu.memory_space<hbm>>
    %dma_start3A_73 = arith.constant 0 : i32
    %dma_start3A_74 = tpu.memref_slice %arg3[%dma_start3A_65, %add3A_63, %dma_start3A_73] : memref<4x4096x1024xf32, #tpu.memory_space<hbm>> -> memref<1x32x1024xf32, #tpu.memory_space<hbm>>
    %dma_start3A_75 = tpu.memref_squeeze %dma_start3A_74 : memref<1x32x1024xf32, #tpu.memory_space<hbm>> -> memref<32x1024xf32, #tpu.memory_space<hbm>>
    %dma_start3A_76 = arith.constant 0 : i32
    %dma_start3A_77 = arith.constant 0 : i32
    %dma_start3A_78 = tpu.memref_slice %arg4[%dma_start3A_64, %dma_start3A_76, %dma_start3A_77] : memref<3x32x1024xf32, #tpu.memory_space<vmem>> -> memref<1x32x1024xf32, #tpu.memory_space<vmem>>
    %dma_start3A_79 = tpu.memref_squeeze %dma_start3A_78 : memref<1x32x1024xf32, #tpu.memory_space<vmem>> -> memref<32x1024xf32, #tpu.memory_space<vmem>>
    tpu.enqueue_dma source(%dma_start3A_79 : memref<32x1024xf32, #tpu.memory_space<vmem>>) target(%dma_start3A_75 : memref<32x1024xf32, #tpu.memory_space<hbm>>) target_semaphore(%arg6 : memref<!tpu.dma_semaphore, #tpu.memory_space<semaphore_mem>>)
    %add3A_80 = arith.constant 0 : i32
    %add3A_81 = arith.addi %mul3A_2, %add3A_80 : i32
    %dma_start3A_82 = arith.constant 0 : i32
    %dma_start3A_83 = arith.constant 2 : i32
    %dma_start3A_84 = arith.constant 0 : i32
    %dma_start3A_85 = arith.constant 0 : i32
    %dma_start3A_86 = tpu.memref_slice %arg4[%dma_start3A_82, %dma_start3A_84, %dma_start3A_85] : memref<3x32x1024xf32, #tpu.memory_space<vmem>> -> memref<1x32x1024xf32, #tpu.memory_space<vmem>>
    %dma_start3A_87 = tpu.memref_squeeze %dma_start3A_86 : memref<1x32x1024xf32, #tpu.memory_space<vmem>> -> memref<32x1024xf32, #tpu.memory_space<vmem>>
    %dma_start3A_88 = arith.constant 0 : i32
    %dma_start3A_89 = tpu.memref_slice %arg3[%dma_start3A_83, %add3A_81, %dma_start3A_88] : memref<4x4096x1024xf32, #tpu.memory_space<hbm>> -> memref<1x32x1024xf32, #tpu.memory_space<hbm>>
    %dma_start3A_90 = tpu.memref_squeeze %dma_start3A_89 : memref<1x32x1024xf32, #tpu.memory_space<hbm>> -> memref<32x1024xf32, #tpu.memory_space<hbm>>
    %dma_start3A_91 = arith.constant 0 : i32
    %dma_start3A_92 = tpu.memref_slice %arg3[%dma_start3A_83, %add3A_81, %dma_start3A_91] : memref<4x4096x1024xf32, #tpu.memory_space<hbm>> -> memref<1x32x1024xf32, #tpu.memory_space<hbm>>
    %dma_start3A_93 = tpu.memref_squeeze %dma_start3A_92 : memref<1x32x1024xf32, #tpu.memory_space<hbm>> -> memref<32x1024xf32, #tpu.memory_space<hbm>>
    %dma_start3A_94 = arith.constant 0 : i32
    %dma_start3A_95 = arith.constant 0 : i32
    %dma_start3A_96 = tpu.memref_slice %arg4[%dma_start3A_82, %dma_start3A_94, %dma_start3A_95] : memref<3x32x1024xf32, #tpu.memory_space<vmem>> -> memref<1x32x1024xf32, #tpu.memory_space<vmem>>
    %dma_start3A_97 = tpu.memref_squeeze %dma_start3A_96 : memref<1x32x1024xf32, #tpu.memory_space<vmem>> -> memref<32x1024xf32, #tpu.memory_space<vmem>>
    tpu.enqueue_dma source(%dma_start3A_97 : memref<32x1024xf32, #tpu.memory_space<vmem>>) target(%dma_start3A_93 : memref<32x1024xf32, #tpu.memory_space<hbm>>) target_semaphore(%arg6 : memref<!tpu.dma_semaphore, #tpu.memory_space<semaphore_mem>>)
    %add3A_98 = arith.constant 0 : i32
    %add3A_99 = arith.addi %mul3A_2, %add3A_98 : i32
    %dma_start3A_100 = arith.constant 0 : i32
    %dma_start3A_101 = arith.constant 3 : i32
    %dma_start3A_102 = arith.constant 0 : i32
    %dma_start3A_103 = arith.constant 0 : i32
    %dma_start3A_104 = tpu.memref_slice %arg4[%dma_start3A_100, %dma_start3A_102, %dma_start3A_103] : memref<3x32x1024xf32, #tpu.memory_space<vmem>> -> memref<1x32x1024xf32, #tpu.memory_space<vmem>>
    %dma_start3A_105 = tpu.memref_squeeze %dma_start3A_104 : memref<1x32x1024xf32, #tpu.memory_space<vmem>> -> memref<32x1024xf32, #tpu.memory_space<vmem>>
    %dma_start3A_106 = arith.constant 0 : i32
    %dma_start3A_107 = tpu.memref_slice %arg3[%dma_start3A_101, %add3A_99, %dma_start3A_106] : memref<4x4096x1024xf32, #tpu.memory_space<hbm>> -> memref<1x32x1024xf32, #tpu.memory_space<hbm>>
    %dma_start3A_108 = tpu.memref_squeeze %dma_start3A_107 : memref<1x32x1024xf32, #tpu.memory_space<hbm>> -> memref<32x1024xf32, #tpu.memory_space<hbm>>
    %dma_start3A_109 = arith.constant 0 : i32
    %dma_start3A_110 = tpu.memref_slice %arg3[%dma_start3A_101, %add3A_99, %dma_start3A_109] : memref<4x4096x1024xf32, #tpu.memory_space<hbm>> -> memref<1x32x1024xf32, #tpu.memory_space<hbm>>
    %dma_start3A_111 = tpu.memref_squeeze %dma_start3A_110 : memref<1x32x1024xf32, #tpu.memory_space<hbm>> -> memref<32x1024xf32, #tpu.memory_space<hbm>>
    %dma_start3A_112 = arith.constant 0 : i32
    %dma_start3A_113 = arith.constant 0 : i32
    %dma_start3A_114 = tpu.memref_slice %arg4[%dma_start3A_100, %dma_start3A_112, %dma_start3A_113] : memref<3x32x1024xf32, #tpu.memory_space<vmem>> -> memref<1x32x1024xf32, #tpu.memory_space<vmem>>
    %dma_start3A_115 = tpu.memref_squeeze %dma_start3A_114 : memref<1x32x1024xf32, #tpu.memory_space<vmem>> -> memref<32x1024xf32, #tpu.memory_space<vmem>>
    tpu.enqueue_dma source(%dma_start3A_115 : memref<32x1024xf32, #tpu.memory_space<vmem>>) target(%dma_start3A_111 : memref<32x1024xf32, #tpu.memory_space<hbm>>) target_semaphore(%arg6 : memref<!tpu.dma_semaphore, #tpu.memory_space<semaphore_mem>>)
    %add3A_116 = arith.constant 64 : i32
    %add3A_117 = arith.addi %mul3A_2, %add3A_116 : i32
    %dma_start3A_118 = arith.constant 2 : i32
    %dma_start3A_119 = arith.constant 0 : i32
    %dma_start3A_120 = arith.constant 0 : i32
    %dma_start3A_121 = tpu.memref_slice %arg4[%dma_start3A_118, %dma_start3A_119, %dma_start3A_120] : memref<3x32x1024xf32, #tpu.memory_space<vmem>> -> memref<1x32x1024xf32, #tpu.memory_space<vmem>>
    %dma_start3A_122 = tpu.memref_squeeze %dma_start3A_121 : memref<1x32x1024xf32, #tpu.memory_space<vmem>> -> memref<32x1024xf32, #tpu.memory_space<vmem>>
    %dma_start3A_123 = arith.constant 0 : i32
    %dma_start3A_124 = tpu.memref_slice %arg2[%add3A_117, %dma_start3A_123] : memref<8192x1024xf32, #tpu.memory_space<hbm>> -> memref<32x1024xf32, #tpu.memory_space<hbm>>
    %dma_start3A_125 = arith.constant 0 : i32
    %dma_start3A_126 = arith.constant 0 : i32
    %dma_start3A_127 = tpu.memref_slice %arg4[%dma_start3A_118, %dma_start3A_125, %dma_start3A_126] : memref<3x32x1024xf32, #tpu.memory_space<vmem>> -> memref<1x32x1024xf32, #tpu.memory_space<vmem>>
    %dma_start3A_128 = tpu.memref_squeeze %dma_start3A_127 : memref<1x32x1024xf32, #tpu.memory_space<vmem>> -> memref<32x1024xf32, #tpu.memory_space<vmem>>
    %dma_start3A_129 = arith.constant 0 : i32
    %dma_start3A_130 = tpu.memref_slice %arg2[%add3A_117, %dma_start3A_129] : memref<8192x1024xf32, #tpu.memory_space<hbm>> -> memref<32x1024xf32, #tpu.memory_space<hbm>>
    tpu.enqueue_dma source(%dma_start3A_130 : memref<32x1024xf32, #tpu.memory_space<hbm>>) target(%dma_start3A_128 : memref<32x1024xf32, #tpu.memory_space<vmem>>) target_semaphore(%arg5 : memref<!tpu.dma_semaphore, #tpu.memory_space<semaphore_mem>>)
    %dma_wait3A_131 = arith.constant 1 : i32
    %dma_wait3A_132 = arith.constant 0 : i32
    %dma_wait3A_133 = arith.constant 0 : i32
    %dma_wait3A_134 = tpu.memref_slice %arg4[%dma_wait3A_131, %dma_wait3A_132, %dma_wait3A_133] : memref<3x32x1024xf32, #tpu.memory_space<vmem>> -> memref<1x32x1024xf32, #tpu.memory_space<vmem>>
    %dma_wait3A_135 = tpu.memref_squeeze %dma_wait3A_134 : memref<1x32x1024xf32, #tpu.memory_space<vmem>> -> memref<32x1024xf32, #tpu.memory_space<vmem>>
    %dma_wait3A_136 = arith.constant 0 : i32
    %dma_wait3A_137 = tpu.memref_slice %arg2[%add3A_18, %dma_wait3A_136] : memref<8192x1024xf32, #tpu.memory_space<hbm>> -> memref<32x1024xf32, #tpu.memory_space<hbm>>
    %dma_wait3A_138 = arith.constant 0 : i32
    %dma_wait3A_139 = arith.constant 0 : i32
    %dma_wait3A_140 = tpu.memref_slice %arg4[%dma_wait3A_131, %dma_wait3A_138, %dma_wait3A_139] : memref<3x32x1024xf32, #tpu.memory_space<vmem>> -> memref<1x32x1024xf32, #tpu.memory_space<vmem>>
    %dma_wait3A_141 = tpu.memref_squeeze %dma_wait3A_140 : memref<1x32x1024xf32, #tpu.memory_space<vmem>> -> memref<32x1024xf32, #tpu.memory_space<vmem>>
    %dma_wait3A_142 = arith.constant 0 : i32
    %dma_wait3A_143 = tpu.memref_slice %arg2[%add3A_18, %dma_wait3A_142] : memref<8192x1024xf32, #tpu.memory_space<hbm>> -> memref<32x1024xf32, #tpu.memory_space<hbm>>
    tpu.wait_dma2 semaphore(%arg5 : memref<!tpu.dma_semaphore, #tpu.memory_space<semaphore_mem>>) src(%dma_wait3A_143 : memref<32x1024xf32, #tpu.memory_space<hbm>>) dst(%dma_wait3A_141 : memref<32x1024xf32, #tpu.memory_space<vmem>>)
    %add3A_144 = arith.constant 32 : i32
    %add3A_145 = arith.addi %mul3A_2, %add3A_144 : i32
    %dma_start3A_146 = arith.constant 1 : i32
    %dma_start3A_147 = arith.constant 0 : i32
    %dma_start3A_148 = arith.constant 0 : i32
    %dma_start3A_149 = arith.constant 0 : i32
    %dma_start3A_150 = tpu.memref_slice %arg4[%dma_start3A_146, %dma_start3A_148, %dma_start3A_149] : memref<3x32x1024xf32, #tpu.memory_space<vmem>> -> memref<1x32x1024xf32, #tpu.memory_space<vmem>>
    %dma_start3A_151 = tpu.memref_squeeze %dma_start3A_150 : memref<1x32x1024xf32, #tpu.memory_space<vmem>> -> memref<32x1024xf32, #tpu.memory_space<vmem>>
    %dma_start3A_152 = arith.constant 0 : i32
    %dma_start3A_153 = tpu.memref_slice %arg3[%dma_start3A_147, %add3A_145, %dma_start3A_152] : memref<4x4096x1024xf32, #tpu.memory_space<hbm>> -> memref<1x32x1024xf32, #tpu.memory_space<hbm>>
    %dma_start3A_154 = tpu.memref_squeeze %dma_start3A_153 : memref<1x32x1024xf32, #tpu.memory_space<hbm>> -> memref<32x1024xf32, #tpu.memory_space<hbm>>
    %dma_start3A_155 = arith.constant 0 : i32
    %dma_start3A_156 = tpu.memref_slice %arg3[%dma_start3A_147, %add3A_145, %dma_start3A_155] : memref<4x4096x1024xf32, #tpu.memory_space<hbm>> -> memref<1x32x1024xf32, #tpu.memory_space<hbm>>
    %dma_start3A_157 = tpu.memref_squeeze %dma_start3A_156 : memref<1x32x1024xf32, #tpu.memory_space<hbm>> -> memref<32x1024xf32, #tpu.memory_space<hbm>>
    %dma_start3A_158 = arith.constant 0 : i32
    %dma_start3A_159 = arith.constant 0 : i32
    %dma_start3A_160 = tpu.memref_slice %arg4[%dma_start3A_146, %dma_start3A_158, %dma_start3A_159] : memref<3x32x1024xf32, #tpu.memory_space<vmem>> -> memref<1x32x1024xf32, #tpu.memory_space<vmem>>
    %dma_start3A_161 = tpu.memref_squeeze %dma_start3A_160 : memref<1x32x1024xf32, #tpu.memory_space<vmem>> -> memref<32x1024xf32, #tpu.memory_space<vmem>>
    tpu.enqueue_dma source(%dma_start3A_161 : memref<32x1024xf32, #tpu.memory_space<vmem>>) target(%dma_start3A_157 : memref<32x1024xf32, #tpu.memory_space<hbm>>) target_semaphore(%arg6 : memref<!tpu.dma_semaphore, #tpu.memory_space<semaphore_mem>>)
    %add3A_162 = arith.constant 32 : i32
    %add3A_163 = arith.addi %mul3A_2, %add3A_162 : i32
    %dma_start3A_164 = arith.constant 1 : i32
    %dma_start3A_165 = arith.constant 1 : i32
    %dma_start3A_166 = arith.constant 0 : i32
    %dma_start3A_167 = arith.constant 0 : i32
    %dma_start3A_168 = tpu.memref_slice %arg4[%dma_start3A_164, %dma_start3A_166, %dma_start3A_167] : memref<3x32x1024xf32, #tpu.memory_space<vmem>> -> memref<1x32x1024xf32, #tpu.memory_space<vmem>>
    %dma_start3A_169 = tpu.memref_squeeze %dma_start3A_168 : memref<1x32x1024xf32, #tpu.memory_space<vmem>> -> memref<32x1024xf32, #tpu.memory_space<vmem>>
    %dma_start3A_170 = arith.constant 0 : i32
    %dma_start3A_171 = tpu.memref_slice %arg3[%dma_start3A_165, %add3A_163, %dma_start3A_170] : memref<4x4096x1024xf32, #tpu.memory_space<hbm>> -> memref<1x32x1024xf32, #tpu.memory_space<hbm>>
    %dma_start3A_172 = tpu.memref_squeeze %dma_start3A_171 : memref<1x32x1024xf32, #tpu.memory_space<hbm>> -> memref<32x1024xf32, #tpu.memory_space<hbm>>
    %dma_start3A_173 = arith.constant 0 : i32
    %dma_start3A_174 = tpu.memref_slice %arg3[%dma_start3A_165, %add3A_163, %dma_start3A_173] : memref<4x4096x1024xf32, #tpu.memory_space<hbm>> -> memref<1x32x1024xf32, #tpu.memory_space<hbm>>
    %dma_start3A_175 = tpu.memref_squeeze %dma_start3A_174 : memref<1x32x1024xf32, #tpu.memory_space<hbm>> -> memref<32x1024xf32, #tpu.memory_space<hbm>>
    %dma_start3A_176 = arith.constant 0 : i32
    %dma_start3A_177 = arith.constant 0 : i32
    %dma_start3A_178 = tpu.memref_slice %arg4[%dma_start3A_164, %dma_start3A_176, %dma_start3A_177] : memref<3x32x1024xf32, #tpu.memory_space<vmem>> -> memref<1x32x1024xf32, #tpu.memory_space<vmem>>
    %dma_start3A_179 = tpu.memref_squeeze %dma_start3A_178 : memref<1x32x1024xf32, #tpu.memory_space<vmem>> -> memref<32x1024xf32, #tpu.memory_space<vmem>>
    tpu.enqueue_dma source(%dma_start3A_179 : memref<32x1024xf32, #tpu.memory_space<vmem>>) target(%dma_start3A_175 : memref<32x1024xf32, #tpu.memory_space<hbm>>) target_semaphore(%arg6 : memref<!tpu.dma_semaphore, #tpu.memory_space<semaphore_mem>>)
    %add3A_180 = arith.constant 32 : i32
    %add3A_181 = arith.addi %mul3A_2, %add3A_180 : i32
    %dma_start3A_182 = arith.constant 1 : i32
    %dma_start3A_183 = arith.constant 2 : i32
    %dma_start3A_184 = arith.constant 0 : i32
    %dma_start3A_185 = arith.constant 0 : i32
    %dma_start3A_186 = tpu.memref_slice %arg4[%dma_start3A_182, %dma_start3A_184, %dma_start3A_185] : memref<3x32x1024xf32, #tpu.memory_space<vmem>> -> memref<1x32x1024xf32, #tpu.memory_space<vmem>>
    %dma_start3A_187 = tpu.memref_squeeze %dma_start3A_186 : memref<1x32x1024xf32, #tpu.memory_space<vmem>> -> memref<32x1024xf32, #tpu.memory_space<vmem>>
    %dma_start3A_188 = arith.constant 0 : i32
    %dma_start3A_189 = tpu.memref_slice %arg3[%dma_start3A_183, %add3A_181, %dma_start3A_188] : memref<4x4096x1024xf32, #tpu.memory_space<hbm>> -> memref<1x32x1024xf32, #tpu.memory_space<hbm>>
    %dma_start3A_190 = tpu.memref_squeeze %dma_start3A_189 : memref<1x32x1024xf32, #tpu.memory_space<hbm>> -> memref<32x1024xf32, #tpu.memory_space<hbm>>
    %dma_start3A_191 = arith.constant 0 : i32
    %dma_start3A_192 = tpu.memref_slice %arg3[%dma_start3A_183, %add3A_181, %dma_start3A_191] : memref<4x4096x1024xf32, #tpu.memory_space<hbm>> -> memref<1x32x1024xf32, #tpu.memory_space<hbm>>
    %dma_start3A_193 = tpu.memref_squeeze %dma_start3A_192 : memref<1x32x1024xf32, #tpu.memory_space<hbm>> -> memref<32x1024xf32, #tpu.memory_space<hbm>>
    %dma_start3A_194 = arith.constant 0 : i32
    %dma_start3A_195 = arith.constant 0 : i32
    %dma_start3A_196 = tpu.memref_slice %arg4[%dma_start3A_182, %dma_start3A_194, %dma_start3A_195] : memref<3x32x1024xf32, #tpu.memory_space<vmem>> -> memref<1x32x1024xf32, #tpu.memory_space<vmem>>
    %dma_start3A_197 = tpu.memref_squeeze %dma_start3A_196 : memref<1x32x1024xf32, #tpu.memory_space<vmem>> -> memref<32x1024xf32, #tpu.memory_space<vmem>>
    tpu.enqueue_dma source(%dma_start3A_197 : memref<32x1024xf32, #tpu.memory_space<vmem>>) target(%dma_start3A_193 : memref<32x1024xf32, #tpu.memory_space<hbm>>) target_semaphore(%arg6 : memref<!tpu.dma_semaphore, #tpu.memory_space<semaphore_mem>>)
    %add3A_198 = arith.constant 32 : i32
    %add3A_199 = arith.addi %mul3A_2, %add3A_198 : i32
    %dma_start3A_200 = arith.constant 1 : i32
    %dma_start3A_201 = arith.constant 3 : i32
    %dma_start3A_202 = arith.constant 0 : i32
    %dma_start3A_203 = arith.constant 0 : i32
    %dma_start3A_204 = tpu.memref_slice %arg4[%dma_start3A_200, %dma_start3A_202, %dma_start3A_203] : memref<3x32x1024xf32, #tpu.memory_space<vmem>> -> memref<1x32x1024xf32, #tpu.memory_space<vmem>>
    %dma_start3A_205 = tpu.memref_squeeze %dma_start3A_204 : memref<1x32x1024xf32, #tpu.memory_space<vmem>> -> memref<32x1024xf32, #tpu.memory_space<vmem>>
    %dma_start3A_206 = arith.constant 0 : i32
    %dma_start3A_207 = tpu.memref_slice %arg3[%dma_start3A_201, %add3A_199, %dma_start3A_206] : memref<4x4096x1024xf32, #tpu.memory_space<hbm>> -> memref<1x32x1024xf32, #tpu.memory_space<hbm>>
    %dma_start3A_208 = tpu.memref_squeeze %dma_start3A_207 : memref<1x32x1024xf32, #tpu.memory_space<hbm>> -> memref<32x1024xf32, #tpu.memory_space<hbm>>
    %dma_start3A_209 = arith.constant 0 : i32
    %dma_start3A_210 = tpu.memref_slice %arg3[%dma_start3A_201, %add3A_199, %dma_start3A_209] : memref<4x4096x1024xf32, #tpu.memory_space<hbm>> -> memref<1x32x1024xf32, #tpu.memory_space<hbm>>
    %dma_start3A_211 = tpu.memref_squeeze %dma_start3A_210 : memref<1x32x1024xf32, #tpu.memory_space<hbm>> -> memref<32x1024xf32, #tpu.memory_space<hbm>>
    %dma_start3A_212 = arith.constant 0 : i32
    %dma_start3A_213 = arith.constant 0 : i32
    %dma_start3A_214 = tpu.memref_slice %arg4[%dma_start3A_200, %dma_start3A_212, %dma_start3A_213] : memref<3x32x1024xf32, #tpu.memory_space<vmem>> -> memref<1x32x1024xf32, #tpu.memory_space<vmem>>
    %dma_start3A_215 = tpu.memref_squeeze %dma_start3A_214 : memref<1x32x1024xf32, #tpu.memory_space<vmem>> -> memref<32x1024xf32, #tpu.memory_space<vmem>>
    tpu.enqueue_dma source(%dma_start3A_215 : memref<32x1024xf32, #tpu.memory_space<vmem>>) target(%dma_start3A_211 : memref<32x1024xf32, #tpu.memory_space<hbm>>) target_semaphore(%arg6 : memref<!tpu.dma_semaphore, #tpu.memory_space<semaphore_mem>>)
    %dma_wait3A_216 = arith.constant 0 : i32
    %dma_wait3A_217 = arith.constant 0 : i32
    %dma_wait3A_218 = arith.constant 0 : i32
    %dma_wait3A_219 = arith.constant 0 : i32
    %dma_wait3A_220 = tpu.memref_slice %arg4[%dma_wait3A_216, %dma_wait3A_218, %dma_wait3A_219] : memref<3x32x1024xf32, #tpu.memory_space<vmem>> -> memref<1x32x1024xf32, #tpu.memory_space<vmem>>
    %dma_wait3A_221 = tpu.memref_squeeze %dma_wait3A_220 : memref<1x32x1024xf32, #tpu.memory_space<vmem>> -> memref<32x1024xf32, #tpu.memory_space<vmem>>
    %dma_wait3A_222 = arith.constant 0 : i32
    %dma_wait3A_223 = tpu.memref_slice %arg3[%dma_wait3A_217, %add3A_45, %dma_wait3A_222] : memref<4x4096x1024xf32, #tpu.memory_space<hbm>> -> memref<1x32x1024xf32, #tpu.memory_space<hbm>>
    %dma_wait3A_224 = tpu.memref_squeeze %dma_wait3A_223 : memref<1x32x1024xf32, #tpu.memory_space<hbm>> -> memref<32x1024xf32, #tpu.memory_space<hbm>>
    %dma_wait3A_225 = arith.constant 0 : i32
    %dma_wait3A_226 = tpu.memref_slice %arg3[%dma_wait3A_217, %add3A_45, %dma_wait3A_225] : memref<4x4096x1024xf32, #tpu.memory_space<hbm>> -> memref<1x32x1024xf32, #tpu.memory_space<hbm>>
    %dma_wait3A_227 = tpu.memref_squeeze %dma_wait3A_226 : memref<1x32x1024xf32, #tpu.memory_space<hbm>> -> memref<32x1024xf32, #tpu.memory_space<hbm>>
    %dma_wait3A_228 = arith.constant 0 : i32
    %dma_wait3A_229 = arith.constant 0 : i32
    %dma_wait3A_230 = tpu.memref_slice %arg4[%dma_wait3A_216, %dma_wait3A_228, %dma_wait3A_229] : memref<3x32x1024xf32, #tpu.memory_space<vmem>> -> memref<1x32x1024xf32, #tpu.memory_space<vmem>>
    %dma_wait3A_231 = tpu.memref_squeeze %dma_wait3A_230 : memref<1x32x1024xf32, #tpu.memory_space<vmem>> -> memref<32x1024xf32, #tpu.memory_space<vmem>>
    tpu.wait_dma2 semaphore(%arg6 : memref<!tpu.dma_semaphore, #tpu.memory_space<semaphore_mem>>) src(%dma_wait3A_231 : memref<32x1024xf32, #tpu.memory_space<vmem>>) dst(%dma_wait3A_227 : memref<32x1024xf32, #tpu.memory_space<hbm>>)
    %dma_wait3A_232 = arith.constant 0 : i32
    %dma_wait3A_233 = arith.constant 1 : i32
    %dma_wait3A_234 = arith.constant 0 : i32
    %dma_wait3A_235 = arith.constant 0 : i32
    %dma_wait3A_236 = tpu.memref_slice %arg4[%dma_wait3A_232, %dma_wait3A_234, %dma_wait3A_235] : memref<3x32x1024xf32, #tpu.memory_space<vmem>> -> memref<1x32x1024xf32, #tpu.memory_space<vmem>>
    %dma_wait3A_237 = tpu.memref_squeeze %dma_wait3A_236 : memref<1x32x1024xf32, #tpu.memory_space<vmem>> -> memref<32x1024xf32, #tpu.memory_space<vmem>>
    %dma_wait3A_238 = arith.constant 0 : i32
    %dma_wait3A_239 = tpu.memref_slice %arg3[%dma_wait3A_233, %add3A_63, %dma_wait3A_238] : memref<4x4096x1024xf32, #tpu.memory_space<hbm>> -> memref<1x32x1024xf32, #tpu.memory_space<hbm>>
    %dma_wait3A_240 = tpu.memref_squeeze %dma_wait3A_239 : memref<1x32x1024xf32, #tpu.memory_space<hbm>> -> memref<32x1024xf32, #tpu.memory_space<hbm>>
    %dma_wait3A_241 = arith.constant 0 : i32
    %dma_wait3A_242 = tpu.memref_slice %arg3[%dma_wait3A_233, %add3A_63, %dma_wait3A_241] : memref<4x4096x1024xf32, #tpu.memory_space<hbm>> -> memref<1x32x1024xf32, #tpu.memory_space<hbm>>
    %dma_wait3A_243 = tpu.memref_squeeze %dma_wait3A_242 : memref<1x32x1024xf32, #tpu.memory_space<hbm>> -> memref<32x1024xf32, #tpu.memory_space<hbm>>
    %dma_wait3A_244 = arith.constant 0 : i32
    %dma_wait3A_245 = arith.constant 0 : i32
    %dma_wait3A_246 = tpu.memref_slice %arg4[%dma_wait3A_232, %dma_wait3A_244, %dma_wait3A_245] : memref<3x32x1024xf32, #tpu.memory_space<vmem>> -> memref<1x32x1024xf32, #tpu.memory_space<vmem>>
    %dma_wait3A_247 = tpu.memref_squeeze %dma_wait3A_246 : memref<1x32x1024xf32, #tpu.memory_space<vmem>> -> memref<32x1024xf32, #tpu.memory_space<vmem>>
    tpu.wait_dma2 semaphore(%arg6 : memref<!tpu.dma_semaphore, #tpu.memory_space<semaphore_mem>>) src(%dma_wait3A_247 : memref<32x1024xf32, #tpu.memory_space<vmem>>) dst(%dma_wait3A_243 : memref<32x1024xf32, #tpu.memory_space<hbm>>)
    %dma_wait3A_248 = arith.constant 0 : i32
    %dma_wait3A_249 = arith.constant 2 : i32
    %dma_wait3A_250 = arith.constant 0 : i32
    %dma_wait3A_251 = arith.constant 0 : i32
    %dma_wait3A_252 = tpu.memref_slice %arg4[%dma_wait3A_248, %dma_wait3A_250, %dma_wait3A_251] : memref<3x32x1024xf32, #tpu.memory_space<vmem>> -> memref<1x32x1024xf32, #tpu.memory_space<vmem>>
    %dma_wait3A_253 = tpu.memref_squeeze %dma_wait3A_252 : memref<1x32x1024xf32, #tpu.memory_space<vmem>> -> memref<32x1024xf32, #tpu.memory_space<vmem>>
    %dma_wait3A_254 = arith.constant 0 : i32
    %dma_wait3A_255 = tpu.memref_slice %arg3[%dma_wait3A_249, %add3A_81, %dma_wait3A_254] : memref<4x4096x1024xf32, #tpu.memory_space<hbm>> -> memref<1x32x1024xf32, #tpu.memory_space<hbm>>
    %dma_wait3A_256 = tpu.memref_squeeze %dma_wait3A_255 : memref<1x32x1024xf32, #tpu.memory_space<hbm>> -> memref<32x1024xf32, #tpu.memory_space<hbm>>
    %dma_wait3A_257 = arith.constant 0 : i32
    %dma_wait3A_258 = tpu.memref_slice %arg3[%dma_wait3A_249, %add3A_81, %dma_wait3A_257] : memref<4x4096x1024xf32, #tpu.memory_space<hbm>> -> memref<1x32x1024xf32, #tpu.memory_space<hbm>>
    %dma_wait3A_259 = tpu.memref_squeeze %dma_wait3A_258 : memref<1x32x1024xf32, #tpu.memory_space<hbm>> -> memref<32x1024xf32, #tpu.memory_space<hbm>>
    %dma_wait3A_260 = arith.constant 0 : i32
    %dma_wait3A_261 = arith.constant 0 : i32
    %dma_wait3A_262 = tpu.memref_slice %arg4[%dma_wait3A_248, %dma_wait3A_260, %dma_wait3A_261] : memref<3x32x1024xf32, #tpu.memory_space<vmem>> -> memref<1x32x1024xf32, #tpu.memory_space<vmem>>
    %dma_wait3A_263 = tpu.memref_squeeze %dma_wait3A_262 : memref<1x32x1024xf32, #tpu.memory_space<vmem>> -> memref<32x1024xf32, #tpu.memory_space<vmem>>
    tpu.wait_dma2 semaphore(%arg6 : memref<!tpu.dma_semaphore, #tpu.memory_space<semaphore_mem>>) src(%dma_wait3A_263 : memref<32x1024xf32, #tpu.memory_space<vmem>>) dst(%dma_wait3A_259 : memref<32x1024xf32, #tpu.memory_space<hbm>>)
    %dma_wait3A_264 = arith.constant 0 : i32
    %dma_wait3A_265 = arith.constant 3 : i32
    %dma_wait3A_266 = arith.constant 0 : i32
    %dma_wait3A_267 = arith.constant 0 : i32
    %dma_wait3A_268 = tpu.memref_slice %arg4[%dma_wait3A_264, %dma_wait3A_266, %dma_wait3A_267] : memref<3x32x1024xf32, #tpu.memory_space<vmem>> -> memref<1x32x1024xf32, #tpu.memory_space<vmem>>
    %dma_wait3A_269 = tpu.memref_squeeze %dma_wait3A_268 : memref<1x32x1024xf32, #tpu.memory_space<vmem>> -> memref<32x1024xf32, #tpu.memory_space<vmem>>
    %dma_wait3A_270 = arith.constant 0 : i32
    %dma_wait3A_271 = tpu.memref_slice %arg3[%dma_wait3A_265, %add3A_99, %dma_wait3A_270] : memref<4x4096x1024xf32, #tpu.memory_space<hbm>> -> memref<1x32x1024xf32, #tpu.memory_space<hbm>>
    %dma_wait3A_272 = tpu.memref_squeeze %dma_wait3A_271 : memref<1x32x1024xf32, #tpu.memory_space<hbm>> -> memref<32x1024xf32, #tpu.memory_space<hbm>>
    %dma_wait3A_273 = arith.constant 0 : i32
    %dma_wait3A_274 = tpu.memref_slice %arg3[%dma_wait3A_265, %add3A_99, %dma_wait3A_273] : memref<4x4096x1024xf32, #tpu.memory_space<hbm>> -> memref<1x32x1024xf32, #tpu.memory_space<hbm>>
    %dma_wait3A_275 = tpu.memref_squeeze %dma_wait3A_274 : memref<1x32x1024xf32, #tpu.memory_space<hbm>> -> memref<32x1024xf32, #tpu.memory_space<hbm>>
    %dma_wait3A_276 = arith.constant 0 : i32
    %dma_wait3A_277 = arith.constant 0 : i32
    %dma_wait3A_278 = tpu.memref_slice %arg4[%dma_wait3A_264, %dma_wait3A_276, %dma_wait3A_277] : memref<3x32x1024xf32, #tpu.memory_space<vmem>> -> memref<1x32x1024xf32, #tpu.memory_space<vmem>>
    %dma_wait3A_279 = tpu.memref_squeeze %dma_wait3A_278 : memref<1x32x1024xf32, #tpu.memory_space<vmem>> -> memref<32x1024xf32, #tpu.memory_space<vmem>>
    tpu.wait_dma2 semaphore(%arg6 : memref<!tpu.dma_semaphore, #tpu.memory_space<semaphore_mem>>) src(%dma_wait3A_279 : memref<32x1024xf32, #tpu.memory_space<vmem>>) dst(%dma_wait3A_275 : memref<32x1024xf32, #tpu.memory_space<hbm>>)
    %add3A_280 = arith.constant 96 : i32
    %add3A_281 = arith.addi %mul3A_2, %add3A_280 : i32
    %dma_start3A_282 = arith.constant 0 : i32
    %dma_start3A_283 = arith.constant 0 : i32
    %dma_start3A_284 = arith.constant 0 : i32
    %dma_start3A_285 = tpu.memref_slice %arg4[%dma_start3A_282, %dma_start3A_283, %dma_start3A_284] : memref<3x32x1024xf32, #tpu.memory_space<vmem>> -> memref<1x32x1024xf32, #tpu.memory_space<vmem>>
    %dma_start3A_286 = tpu.memref_squeeze %dma_start3A_285 : memref<1x32x1024xf32, #tpu.memory_space<vmem>> -> memref<32x1024xf32, #tpu.memory_space<vmem>>
    %dma_start3A_287 = arith.constant 0 : i32
    %dma_start3A_288 = tpu.memref_slice %arg2[%add3A_281, %dma_start3A_287] : memref<8192x1024xf32, #tpu.memory_space<hbm>> -> memref<32x1024xf32, #tpu.memory_space<hbm>>
    %dma_start3A_289 = arith.constant 0 : i32
    %dma_start3A_290 = arith.constant 0 : i32
    %dma_start3A_291 = tpu.memref_slice %arg4[%dma_start3A_282, %dma_start3A_289, %dma_start3A_290] : memref<3x32x1024xf32, #tpu.memory_space<vmem>> -> memref<1x32x1024xf32, #tpu.memory_space<vmem>>
    %dma_start3A_292 = tpu.memref_squeeze %dma_start3A_291 : memref<1x32x1024xf32, #tpu.memory_space<vmem>> -> memref<32x1024xf32, #tpu.memory_space<vmem>>
    %dma_start3A_293 = arith.constant 0 : i32
    %dma_start3A_294 = tpu.memref_slice %arg2[%add3A_281, %dma_start3A_293] : memref<8192x1024xf32, #tpu.memory_space<hbm>> -> memref<32x1024xf32, #tpu.memory_space<hbm>>
    tpu.enqueue_dma source(%dma_start3A_294 : memref<32x1024xf32, #tpu.memory_space<hbm>>) target(%dma_start3A_292 : memref<32x1024xf32, #tpu.memory_space<vmem>>) target_semaphore(%arg5 : memref<!tpu.dma_semaphore, #tpu.memory_space<semaphore_mem>>)
    %dma_wait3A_295 = arith.constant 2 : i32
    %dma_wait3A_296 = arith.constant 0 : i32
    %dma_wait3A_297 = arith.constant 0 : i32
    %dma_wait3A_298 = tpu.memref_slice %arg4[%dma_wait3A_295, %dma_wait3A_296, %dma_wait3A_297] : memref<3x32x1024xf32, #tpu.memory_space<vmem>> -> memref<1x32x1024xf32, #tpu.memory_space<vmem>>
    %dma_wait3A_299 = tpu.memref_squeeze %dma_wait3A_298 : memref<1x32x1024xf32, #tpu.memory_space<vmem>> -> memref<32x1024xf32, #tpu.memory_space<vmem>>
    %dma_wait3A_300 = arith.constant 0 : i32
    %dma_wait3A_301 = tpu.memref_slice %arg2[%add3A_117, %dma_wait3A_300] : memref<8192x1024xf32, #tpu.memory_space<hbm>> -> memref<32x1024xf32, #tpu.memory_space<hbm>>
    %dma_wait3A_302 = arith.constant 0 : i32
    %dma_wait3A_303 = arith.constant 0 : i32
    %dma_wait3A_304 = tpu.memref_slice %arg4[%dma_wait3A_295, %dma_wait3A_302, %dma_wait3A_303] : memref<3x32x1024xf32, #tpu.memory_space<vmem>> -> memref<1x32x1024xf32, #tpu.memory_space<vmem>>
    %dma_wait3A_305 = tpu.memref_squeeze %dma_wait3A_304 : memref<1x32x1024xf32, #tpu.memory_space<vmem>> -> memref<32x1024xf32, #tpu.memory_space<vmem>>
    %dma_wait3A_306 = arith.constant 0 : i32
    %dma_wait3A_307 = tpu.memref_slice %arg2[%add3A_117, %dma_wait3A_306] : memref<8192x1024xf32, #tpu.memory_space<hbm>> -> memref<32x1024xf32, #tpu.memory_space<hbm>>
    tpu.wait_dma2 semaphore(%arg5 : memref<!tpu.dma_semaphore, #tpu.memory_space<semaphore_mem>>) src(%dma_wait3A_307 : memref<32x1024xf32, #tpu.memory_space<hbm>>) dst(%dma_wait3A_305 : memref<32x1024xf32, #tpu.memory_space<vmem>>)
    %add3A_308 = arith.constant 64 : i32
    %add3A_309 = arith.addi %mul3A_2, %add3A_308 : i32
    %dma_start3A_310 = arith.constant 2 : i32
    %dma_start3A_311 = arith.constant 0 : i32
    %dma_start3A_312 = arith.constant 0 : i32
    %dma_start3A_313 = arith.constant 0 : i32
    %dma_start3A_314 = tpu.memref_slice %arg4[%dma_start3A_310, %dma_start3A_312, %dma_start3A_313] : memref<3x32x1024xf32, #tpu.memory_space<vmem>> -> memref<1x32x1024xf32, #tpu.memory_space<vmem>>
    %dma_start3A_315 = tpu.memref_squeeze %dma_start3A_314 : memref<1x32x1024xf32, #tpu.memory_space<vmem>> -> memref<32x1024xf32, #tpu.memory_space<vmem>>
    %dma_start3A_316 = arith.constant 0 : i32
    %dma_start3A_317 = tpu.memref_slice %arg3[%dma_start3A_311, %add3A_309, %dma_start3A_316] : memref<4x4096x1024xf32, #tpu.memory_space<hbm>> -> memref<1x32x1024xf32, #tpu.memory_space<hbm>>
    %dma_start3A_318 = tpu.memref_squeeze %dma_start3A_317 : memref<1x32x1024xf32, #tpu.memory_space<hbm>> -> memref<32x1024xf32, #tpu.memory_space<hbm>>
    %dma_start3A_319 = arith.constant 0 : i32
    %dma_start3A_320 = tpu.memref_slice %arg3[%dma_start3A_311, %add3A_309, %dma_start3A_319] : memref<4x4096x1024xf32, #tpu.memory_space<hbm>> -> memref<1x32x1024xf32, #tpu.memory_space<hbm>>
    %dma_start3A_321 = tpu.memref_squeeze %dma_start3A_320 : memref<1x32x1024xf32, #tpu.memory_space<hbm>> -> memref<32x1024xf32, #tpu.memory_space<hbm>>
    %dma_start3A_322 = arith.constant 0 : i32
    %dma_start3A_323 = arith.constant 0 : i32
    %dma_start3A_324 = tpu.memref_slice %arg4[%dma_start3A_310, %dma_start3A_322, %dma_start3A_323] : memref<3x32x1024xf32, #tpu.memory_space<vmem>> -> memref<1x32x1024xf32, #tpu.memory_space<vmem>>
    %dma_start3A_325 = tpu.memref_squeeze %dma_start3A_324 : memref<1x32x1024xf32, #tpu.memory_space<vmem>> -> memref<32x1024xf32, #tpu.memory_space<vmem>>
    tpu.enqueue_dma source(%dma_start3A_325 : memref<32x1024xf32, #tpu.memory_space<vmem>>) target(%dma_start3A_321 : memref<32x1024xf32, #tpu.memory_space<hbm>>) target_semaphore(%arg6 : memref<!tpu.dma_semaphore, #tpu.memory_space<semaphore_mem>>)
    %add3A_326 = arith.constant 64 : i32
    %add3A_327 = arith.addi %mul3A_2, %add3A_326 : i32
    %dma_start3A_328 = arith.constant 2 : i32
    %dma_start3A_329 = arith.constant 1 : i32
    %dma_start3A_330 = arith.constant 0 : i32
    %dma_start3A_331 = arith.constant 0 : i32
    %dma_start3A_332 = tpu.memref_slice %arg4[%dma_start3A_328, %dma_start3A_330, %dma_start3A_331] : memref<3x32x1024xf32, #tpu.memory_space<vmem>> -> memref<1x32x1024xf32, #tpu.memory_space<vmem>>
    %dma_start3A_333 = tpu.memref_squeeze %dma_start3A_332 : memref<1x32x1024xf32, #tpu.memory_space<vmem>> -> memref<32x1024xf32, #tpu.memory_space<vmem>>
    %dma_start3A_334 = arith.constant 0 : i32
    %dma_start3A_335 = tpu.memref_slice %arg3[%dma_start3A_329, %add3A_327, %dma_start3A_334] : memref<4x4096x1024xf32, #tpu.memory_space<hbm>> -> memref<1x32x1024xf32, #tpu.memory_space<hbm>>
    %dma_start3A_336 = tpu.memref_squeeze %dma_start3A_335 : memref<1x32x1024xf32, #tpu.memory_space<hbm>> -> memref<32x1024xf32, #tpu.memory_space<hbm>>
    %dma_start3A_337 = arith.constant 0 : i32
    %dma_start3A_338 = tpu.memref_slice %arg3[%dma_start3A_329, %add3A_327, %dma_start3A_337] : memref<4x4096x1024xf32, #tpu.memory_space<hbm>> -> memref<1x32x1024xf32, #tpu.memory_space<hbm>>
    %dma_start3A_339 = tpu.memref_squeeze %dma_start3A_338 : memref<1x32x1024xf32, #tpu.memory_space<hbm>> -> memref<32x1024xf32, #tpu.memory_space<hbm>>
    %dma_start3A_340 = arith.constant 0 : i32
    %dma_start3A_341 = arith.constant 0 : i32
    %dma_start3A_342 = tpu.memref_slice %arg4[%dma_start3A_328, %dma_start3A_340, %dma_start3A_341] : memref<3x32x1024xf32, #tpu.memory_space<vmem>> -> memref<1x32x1024xf32, #tpu.memory_space<vmem>>
    %dma_start3A_343 = tpu.memref_squeeze %dma_start3A_342 : memref<1x32x1024xf32, #tpu.memory_space<vmem>> -> memref<32x1024xf32, #tpu.memory_space<vmem>>
    tpu.enqueue_dma source(%dma_start3A_343 : memref<32x1024xf32, #tpu.memory_space<vmem>>) target(%dma_start3A_339 : memref<32x1024xf32, #tpu.memory_space<hbm>>) target_semaphore(%arg6 : memref<!tpu.dma_semaphore, #tpu.memory_space<semaphore_mem>>)
    %add3A_344 = arith.constant 64 : i32
    %add3A_345 = arith.addi %mul3A_2, %add3A_344 : i32
    %dma_start3A_346 = arith.constant 2 : i32
    %dma_start3A_347 = arith.constant 2 : i32
    %dma_start3A_348 = arith.constant 0 : i32
    %dma_start3A_349 = arith.constant 0 : i32
    %dma_start3A_350 = tpu.memref_slice %arg4[%dma_start3A_346, %dma_start3A_348, %dma_start3A_349] : memref<3x32x1024xf32, #tpu.memory_space<vmem>> -> memref<1x32x1024xf32, #tpu.memory_space<vmem>>
    %dma_start3A_351 = tpu.memref_squeeze %dma_start3A_350 : memref<1x32x1024xf32, #tpu.memory_space<vmem>> -> memref<32x1024xf32, #tpu.memory_space<vmem>>
    %dma_start3A_352 = arith.constant 0 : i32
    %dma_start3A_353 = tpu.memref_slice %arg3[%dma_start3A_347, %add3A_345, %dma_start3A_352] : memref<4x4096x1024xf32, #tpu.memory_space<hbm>> -> memref<1x32x1024xf32, #tpu.memory_space<hbm>>
    %dma_start3A_354 = tpu.memref_squeeze %dma_start3A_353 : memref<1x32x1024xf32, #tpu.memory_space<hbm>> -> memref<32x1024xf32, #tpu.memory_space<hbm>>
    %dma_start3A_355 = arith.constant 0 : i32
    %dma_start3A_356 = tpu.memref_slice %arg3[%dma_start3A_347, %add3A_345, %dma_start3A_355] : memref<4x4096x1024xf32, #tpu.memory_space<hbm>> -> memref<1x32x1024xf32, #tpu.memory_space<hbm>>
    %dma_start3A_357 = tpu.memref_squeeze %dma_start3A_356 : memref<1x32x1024xf32, #tpu.memory_space<hbm>> -> memref<32x1024xf32, #tpu.memory_space<hbm>>
    %dma_start3A_358 = arith.constant 0 : i32
    %dma_start3A_359 = arith.constant 0 : i32
    %dma_start3A_360 = tpu.memref_slice %arg4[%dma_start3A_346, %dma_start3A_358, %dma_start3A_359] : memref<3x32x1024xf32, #tpu.memory_space<vmem>> -> memref<1x32x1024xf32, #tpu.memory_space<vmem>>
    %dma_start3A_361 = tpu.memref_squeeze %dma_start3A_360 : memref<1x32x1024xf32, #tpu.memory_space<vmem>> -> memref<32x1024xf32, #tpu.memory_space<vmem>>
    tpu.enqueue_dma source(%dma_start3A_361 : memref<32x1024xf32, #tpu.memory_space<vmem>>) target(%dma_start3A_357 : memref<32x1024xf32, #tpu.memory_space<hbm>>) target_semaphore(%arg6 : memref<!tpu.dma_semaphore, #tpu.memory_space<semaphore_mem>>)
    %add3A_362 = arith.constant 64 : i32
    %add3A_363 = arith.addi %mul3A_2, %add3A_362 : i32
    %dma_start3A_364 = arith.constant 2 : i32
    %dma_start3A_365 = arith.constant 3 : i32
    %dma_start3A_366 = arith.constant 0 : i32
    %dma_start3A_367 = arith.constant 0 : i32
    %dma_start3A_368 = tpu.memref_slice %arg4[%dma_start3A_364, %dma_start3A_366, %dma_start3A_367] : memref<3x32x1024xf32, #tpu.memory_space<vmem>> -> memref<1x32x1024xf32, #tpu.memory_space<vmem>>
    %dma_start3A_369 = tpu.memref_squeeze %dma_start3A_368 : memref<1x32x1024xf32, #tpu.memory_space<vmem>> -> memref<32x1024xf32, #tpu.memory_space<vmem>>
    %dma_start3A_370 = arith.constant 0 : i32
    %dma_start3A_371 = tpu.memref_slice %arg3[%dma_start3A_365, %add3A_363, %dma_start3A_370] : memref<4x4096x1024xf32, #tpu.memory_space<hbm>> -> memref<1x32x1024xf32, #tpu.memory_space<hbm>>
    %dma_start3A_372 = tpu.memref_squeeze %dma_start3A_371 : memref<1x32x1024xf32, #tpu.memory_space<hbm>> -> memref<32x1024xf32, #tpu.memory_space<hbm>>
    %dma_start3A_373 = arith.constant 0 : i32
    %dma_start3A_374 = tpu.memref_slice %arg3[%dma_start3A_365, %add3A_363, %dma_start3A_373] : memref<4x4096x1024xf32, #tpu.memory_space<hbm>> -> memref<1x32x1024xf32, #tpu.memory_space<hbm>>
    %dma_start3A_375 = tpu.memref_squeeze %dma_start3A_374 : memref<1x32x1024xf32, #tpu.memory_space<hbm>> -> memref<32x1024xf32, #tpu.memory_space<hbm>>
    %dma_start3A_376 = arith.constant 0 : i32
    %dma_start3A_377 = arith.constant 0 : i32
    %dma_start3A_378 = tpu.memref_slice %arg4[%dma_start3A_364, %dma_start3A_376, %dma_start3A_377] : memref<3x32x1024xf32, #tpu.memory_space<vmem>> -> memref<1x32x1024xf32, #tpu.memory_space<vmem>>
    %dma_start3A_379 = tpu.memref_squeeze %dma_start3A_378 : memref<1x32x1024xf32, #tpu.memory_space<vmem>> -> memref<32x1024xf32, #tpu.memory_space<vmem>>
    tpu.enqueue_dma source(%dma_start3A_379 : memref<32x1024xf32, #tpu.memory_space<vmem>>) target(%dma_start3A_375 : memref<32x1024xf32, #tpu.memory_space<hbm>>) target_semaphore(%arg6 : memref<!tpu.dma_semaphore, #tpu.memory_space<semaphore_mem>>)
    %dma_wait3A_380 = arith.constant 0 : i32
    %dma_wait3A_381 = arith.constant 0 : i32
    %dma_wait3A_382 = arith.constant 0 : i32
    %dma_wait3A_383 = tpu.memref_slice %arg4[%dma_wait3A_380, %dma_wait3A_381, %dma_wait3A_382] : memref<3x32x1024xf32, #tpu.memory_space<vmem>> -> memref<1x32x1024xf32, #tpu.memory_space<vmem>>
    %dma_wait3A_384 = tpu.memref_squeeze %dma_wait3A_383 : memref<1x32x1024xf32, #tpu.memory_space<vmem>> -> memref<32x1024xf32, #tpu.memory_space<vmem>>
    %dma_wait3A_385 = arith.constant 0 : i32
    %dma_wait3A_386 = tpu.memref_slice %arg2[%add3A_281, %dma_wait3A_385] : memref<8192x1024xf32, #tpu.memory_space<hbm>> -> memref<32x1024xf32, #tpu.memory_space<hbm>>
    %dma_wait3A_387 = arith.constant 0 : i32
    %dma_wait3A_388 = arith.constant 0 : i32
    %dma_wait3A_389 = tpu.memref_slice %arg4[%dma_wait3A_380, %dma_wait3A_387, %dma_wait3A_388] : memref<3x32x1024xf32, #tpu.memory_space<vmem>> -> memref<1x32x1024xf32, #tpu.memory_space<vmem>>
    %dma_wait3A_390 = tpu.memref_squeeze %dma_wait3A_389 : memref<1x32x1024xf32, #tpu.memory_space<vmem>> -> memref<32x1024xf32, #tpu.memory_space<vmem>>
    %dma_wait3A_391 = arith.constant 0 : i32
    %dma_wait3A_392 = tpu.memref_slice %arg2[%add3A_281, %dma_wait3A_391] : memref<8192x1024xf32, #tpu.memory_space<hbm>> -> memref<32x1024xf32, #tpu.memory_space<hbm>>
    tpu.wait_dma2 semaphore(%arg5 : memref<!tpu.dma_semaphore, #tpu.memory_space<semaphore_mem>>) src(%dma_wait3A_392 : memref<32x1024xf32, #tpu.memory_space<hbm>>) dst(%dma_wait3A_390 : memref<32x1024xf32, #tpu.memory_space<vmem>>)
    %add3A_393 = arith.constant 96 : i32
    %add3A_394 = arith.addi %mul3A_2, %add3A_393 : i32
    %dma_start3A_395 = arith.constant 0 : i32
    %dma_start3A_396 = arith.constant 0 : i32
    %dma_start3A_397 = arith.constant 0 : i32
    %dma_start3A_398 = arith.constant 0 : i32
    %dma_start3A_399 = tpu.memref_slice %arg4[%dma_start3A_395, %dma_start3A_397, %dma_start3A_398] : memref<3x32x1024xf32, #tpu.memory_space<vmem>> -> memref<1x32x1024xf32, #tpu.memory_space<vmem>>
    %dma_start3A_400 = tpu.memref_squeeze %dma_start3A_399 : memref<1x32x1024xf32, #tpu.memory_space<vmem>> -> memref<32x1024xf32, #tpu.memory_space<vmem>>
    %dma_start3A_401 = arith.constant 0 : i32
    %dma_start3A_402 = tpu.memref_slice %arg3[%dma_start3A_396, %add3A_394, %dma_start3A_401] : memref<4x4096x1024xf32, #tpu.memory_space<hbm>> -> memref<1x32x1024xf32, #tpu.memory_space<hbm>>
    %dma_start3A_403 = tpu.memref_squeeze %dma_start3A_402 : memref<1x32x1024xf32, #tpu.memory_space<hbm>> -> memref<32x1024xf32, #tpu.memory_space<hbm>>
    %dma_start3A_404 = arith.constant 0 : i32
    %dma_start3A_405 = tpu.memref_slice %arg3[%dma_start3A_396, %add3A_394, %dma_start3A_404] : memref<4x4096x1024xf32, #tpu.memory_space<hbm>> -> memref<1x32x1024xf32, #tpu.memory_space<hbm>>
    %dma_start3A_406 = tpu.memref_squeeze %dma_start3A_405 : memref<1x32x1024xf32, #tpu.memory_space<hbm>> -> memref<32x1024xf32, #tpu.memory_space<hbm>>
    %dma_start3A_407 = arith.constant 0 : i32
    %dma_start3A_408 = arith.constant 0 : i32
    %dma_start3A_409 = tpu.memref_slice %arg4[%dma_start3A_395, %dma_start3A_407, %dma_start3A_408] : memref<3x32x1024xf32, #tpu.memory_space<vmem>> -> memref<1x32x1024xf32, #tpu.memory_space<vmem>>
    %dma_start3A_410 = tpu.memref_squeeze %dma_start3A_409 : memref<1x32x1024xf32, #tpu.memory_space<vmem>> -> memref<32x1024xf32, #tpu.memory_space<vmem>>
    tpu.enqueue_dma source(%dma_start3A_410 : memref<32x1024xf32, #tpu.memory_space<vmem>>) target(%dma_start3A_406 : memref<32x1024xf32, #tpu.memory_space<hbm>>) target_semaphore(%arg6 : memref<!tpu.dma_semaphore, #tpu.memory_space<semaphore_mem>>)
    %add3A_411 = arith.constant 96 : i32
    %add3A_412 = arith.addi %mul3A_2, %add3A_411 : i32
    %dma_start3A_413 = arith.constant 0 : i32
    %dma_start3A_414 = arith.constant 1 : i32
    %dma_start3A_415 = arith.constant 0 : i32
    %dma_start3A_416 = arith.constant 0 : i32
    %dma_start3A_417 = tpu.memref_slice %arg4[%dma_start3A_413, %dma_start3A_415, %dma_start3A_416] : memref<3x32x1024xf32, #tpu.memory_space<vmem>> -> memref<1x32x1024xf32, #tpu.memory_space<vmem>>
    %dma_start3A_418 = tpu.memref_squeeze %dma_start3A_417 : memref<1x32x1024xf32, #tpu.memory_space<vmem>> -> memref<32x1024xf32, #tpu.memory_space<vmem>>
    %dma_start3A_419 = arith.constant 0 : i32
    %dma_start3A_420 = tpu.memref_slice %arg3[%dma_start3A_414, %add3A_412, %dma_start3A_419] : memref<4x4096x1024xf32, #tpu.memory_space<hbm>> -> memref<1x32x1024xf32, #tpu.memory_space<hbm>>
    %dma_start3A_421 = tpu.memref_squeeze %dma_start3A_420 : memref<1x32x1024xf32, #tpu.memory_space<hbm>> -> memref<32x1024xf32, #tpu.memory_space<hbm>>
    %dma_start3A_422 = arith.constant 0 : i32
    %dma_start3A_423 = tpu.memref_slice %arg3[%dma_start3A_414, %add3A_412, %dma_start3A_422] : memref<4x4096x1024xf32, #tpu.memory_space<hbm>> -> memref<1x32x1024xf32, #tpu.memory_space<hbm>>
    %dma_start3A_424 = tpu.memref_squeeze %dma_start3A_423 : memref<1x32x1024xf32, #tpu.memory_space<hbm>> -> memref<32x1024xf32, #tpu.memory_space<hbm>>
    %dma_start3A_425 = arith.constant 0 : i32
    %dma_start3A_426 = arith.constant 0 : i32
    %dma_start3A_427 = tpu.memref_slice %arg4[%dma_start3A_413, %dma_start3A_425, %dma_start3A_426] : memref<3x32x1024xf32, #tpu.memory_space<vmem>> -> memref<1x32x1024xf32, #tpu.memory_space<vmem>>
    %dma_start3A_428 = tpu.memref_squeeze %dma_start3A_427 : memref<1x32x1024xf32, #tpu.memory_space<vmem>> -> memref<32x1024xf32, #tpu.memory_space<vmem>>
    tpu.enqueue_dma source(%dma_start3A_428 : memref<32x1024xf32, #tpu.memory_space<vmem>>) target(%dma_start3A_424 : memref<32x1024xf32, #tpu.memory_space<hbm>>) target_semaphore(%arg6 : memref<!tpu.dma_semaphore, #tpu.memory_space<semaphore_mem>>)
    %add3A_429 = arith.constant 96 : i32
    %add3A_430 = arith.addi %mul3A_2, %add3A_429 : i32
    %dma_start3A_431 = arith.constant 0 : i32
    %dma_start3A_432 = arith.constant 2 : i32
    %dma_start3A_433 = arith.constant 0 : i32
    %dma_start3A_434 = arith.constant 0 : i32
    %dma_start3A_435 = tpu.memref_slice %arg4[%dma_start3A_431, %dma_start3A_433, %dma_start3A_434] : memref<3x32x1024xf32, #tpu.memory_space<vmem>> -> memref<1x32x1024xf32, #tpu.memory_space<vmem>>
    %dma_start3A_436 = tpu.memref_squeeze %dma_start3A_435 : memref<1x32x1024xf32, #tpu.memory_space<vmem>> -> memref<32x1024xf32, #tpu.memory_space<vmem>>
    %dma_start3A_437 = arith.constant 0 : i32
    %dma_start3A_438 = tpu.memref_slice %arg3[%dma_start3A_432, %add3A_430, %dma_start3A_437] : memref<4x4096x1024xf32, #tpu.memory_space<hbm>> -> memref<1x32x1024xf32, #tpu.memory_space<hbm>>
    %dma_start3A_439 = tpu.memref_squeeze %dma_start3A_438 : memref<1x32x1024xf32, #tpu.memory_space<hbm>> -> memref<32x1024xf32, #tpu.memory_space<hbm>>
    %dma_start3A_440 = arith.constant 0 : i32
    %dma_start3A_441 = tpu.memref_slice %arg3[%dma_start3A_432, %add3A_430, %dma_start3A_440] : memref<4x4096x1024xf32, #tpu.memory_space<hbm>> -> memref<1x32x1024xf32, #tpu.memory_space<hbm>>
    %dma_start3A_442 = tpu.memref_squeeze %dma_start3A_441 : memref<1x32x1024xf32, #tpu.memory_space<hbm>> -> memref<32x1024xf32, #tpu.memory_space<hbm>>
    %dma_start3A_443 = arith.constant 0 : i32
    %dma_start3A_444 = arith.constant 0 : i32
    %dma_start3A_445 = tpu.memref_slice %arg4[%dma_start3A_431, %dma_start3A_443, %dma_start3A_444] : memref<3x32x1024xf32, #tpu.memory_space<vmem>> -> memref<1x32x1024xf32, #tpu.memory_space<vmem>>
    %dma_start3A_446 = tpu.memref_squeeze %dma_start3A_445 : memref<1x32x1024xf32, #tpu.memory_space<vmem>> -> memref<32x1024xf32, #tpu.memory_space<vmem>>
    tpu.enqueue_dma source(%dma_start3A_446 : memref<32x1024xf32, #tpu.memory_space<vmem>>) target(%dma_start3A_442 : memref<32x1024xf32, #tpu.memory_space<hbm>>) target_semaphore(%arg6 : memref<!tpu.dma_semaphore, #tpu.memory_space<semaphore_mem>>)
    %add3A_447 = arith.constant 96 : i32
    %add3A_448 = arith.addi %mul3A_2, %add3A_447 : i32
    %dma_start3A_449 = arith.constant 0 : i32
    %dma_start3A_450 = arith.constant 3 : i32
    %dma_start3A_451 = arith.constant 0 : i32
    %dma_start3A_452 = arith.constant 0 : i32
    %dma_start3A_453 = tpu.memref_slice %arg4[%dma_start3A_449, %dma_start3A_451, %dma_start3A_452] : memref<3x32x1024xf32, #tpu.memory_space<vmem>> -> memref<1x32x1024xf32, #tpu.memory_space<vmem>>
    %dma_start3A_454 = tpu.memref_squeeze %dma_start3A_453 : memref<1x32x1024xf32, #tpu.memory_space<vmem>> -> memref<32x1024xf32, #tpu.memory_space<vmem>>
    %dma_start3A_455 = arith.constant 0 : i32
    %dma_start3A_456 = tpu.memref_slice %arg3[%dma_start3A_450, %add3A_448, %dma_start3A_455] : memref<4x4096x1024xf32, #tpu.memory_space<hbm>> -> memref<1x32x1024xf32, #tpu.memory_space<hbm>>
    %dma_start3A_457 = tpu.memref_squeeze %dma_start3A_456 : memref<1x32x1024xf32, #tpu.memory_space<hbm>> -> memref<32x1024xf32, #tpu.memory_space<hbm>>
    %dma_start3A_458 = arith.constant 0 : i32
    %dma_start3A_459 = tpu.memref_slice %arg3[%dma_start3A_450, %add3A_448, %dma_start3A_458] : memref<4x4096x1024xf32, #tpu.memory_space<hbm>> -> memref<1x32x1024xf32, #tpu.memory_space<hbm>>
    %dma_start3A_460 = tpu.memref_squeeze %dma_start3A_459 : memref<1x32x1024xf32, #tpu.memory_space<hbm>> -> memref<32x1024xf32, #tpu.memory_space<hbm>>
    %dma_start3A_461 = arith.constant 0 : i32
    %dma_start3A_462 = arith.constant 0 : i32
    %dma_start3A_463 = tpu.memref_slice %arg4[%dma_start3A_449, %dma_start3A_461, %dma_start3A_462] : memref<3x32x1024xf32, #tpu.memory_space<vmem>> -> memref<1x32x1024xf32, #tpu.memory_space<vmem>>
    %dma_start3A_464 = tpu.memref_squeeze %dma_start3A_463 : memref<1x32x1024xf32, #tpu.memory_space<vmem>> -> memref<32x1024xf32, #tpu.memory_space<vmem>>
    tpu.enqueue_dma source(%dma_start3A_464 : memref<32x1024xf32, #tpu.memory_space<vmem>>) target(%dma_start3A_460 : memref<32x1024xf32, #tpu.memory_space<hbm>>) target_semaphore(%arg6 : memref<!tpu.dma_semaphore, #tpu.memory_space<semaphore_mem>>)
    %dma_wait3A_465 = arith.constant 1 : i32
    %dma_wait3A_466 = arith.constant 0 : i32
    %dma_wait3A_467 = arith.constant 0 : i32
    %dma_wait3A_468 = arith.constant 0 : i32
    %dma_wait3A_469 = tpu.memref_slice %arg4[%dma_wait3A_465, %dma_wait3A_467, %dma_wait3A_468] : memref<3x32x1024xf32, #tpu.memory_space<vmem>> -> memref<1x32x1024xf32, #tpu.memory_space<vmem>>
    %dma_wait3A_470 = tpu.memref_squeeze %dma_wait3A_469 : memref<1x32x1024xf32, #tpu.memory_space<vmem>> -> memref<32x1024xf32, #tpu.memory_space<vmem>>
    %dma_wait3A_471 = arith.constant 0 : i32
    %dma_wait3A_472 = tpu.memref_slice %arg3[%dma_wait3A_466, %add3A_145, %dma_wait3A_471] : memref<4x4096x1024xf32, #tpu.memory_space<hbm>> -> memref<1x32x1024xf32, #tpu.memory_space<hbm>>
    %dma_wait3A_473 = tpu.memref_squeeze %dma_wait3A_472 : memref<1x32x1024xf32, #tpu.memory_space<hbm>> -> memref<32x1024xf32, #tpu.memory_space<hbm>>
    %dma_wait3A_474 = arith.constant 0 : i32
    %dma_wait3A_475 = tpu.memref_slice %arg3[%dma_wait3A_466, %add3A_145, %dma_wait3A_474] : memref<4x4096x1024xf32, #tpu.memory_space<hbm>> -> memref<1x32x1024xf32, #tpu.memory_space<hbm>>
    %dma_wait3A_476 = tpu.memref_squeeze %dma_wait3A_475 : memref<1x32x1024xf32, #tpu.memory_space<hbm>> -> memref<32x1024xf32, #tpu.memory_space<hbm>>
    %dma_wait3A_477 = arith.constant 0 : i32
    %dma_wait3A_478 = arith.constant 0 : i32
    %dma_wait3A_479 = tpu.memref_slice %arg4[%dma_wait3A_465, %dma_wait3A_477, %dma_wait3A_478] : memref<3x32x1024xf32, #tpu.memory_space<vmem>> -> memref<1x32x1024xf32, #tpu.memory_space<vmem>>
    %dma_wait3A_480 = tpu.memref_squeeze %dma_wait3A_479 : memref<1x32x1024xf32, #tpu.memory_space<vmem>> -> memref<32x1024xf32, #tpu.memory_space<vmem>>
    tpu.wait_dma2 semaphore(%arg6 : memref<!tpu.dma_semaphore, #tpu.memory_space<semaphore_mem>>) src(%dma_wait3A_480 : memref<32x1024xf32, #tpu.memory_space<vmem>>) dst(%dma_wait3A_476 : memref<32x1024xf32, #tpu.memory_space<hbm>>)
    %dma_wait3A_481 = arith.constant 1 : i32
    %dma_wait3A_482 = arith.constant 1 : i32
    %dma_wait3A_483 = arith.constant 0 : i32
    %dma_wait3A_484 = arith.constant 0 : i32
    %dma_wait3A_485 = tpu.memref_slice %arg4[%dma_wait3A_481, %dma_wait3A_483, %dma_wait3A_484] : memref<3x32x1024xf32, #tpu.memory_space<vmem>> -> memref<1x32x1024xf32, #tpu.memory_space<vmem>>
    %dma_wait3A_486 = tpu.memref_squeeze %dma_wait3A_485 : memref<1x32x1024xf32, #tpu.memory_space<vmem>> -> memref<32x1024xf32, #tpu.memory_space<vmem>>
    %dma_wait3A_487 = arith.constant 0 : i32
    %dma_wait3A_488 = tpu.memref_slice %arg3[%dma_wait3A_482, %add3A_163, %dma_wait3A_487] : memref<4x4096x1024xf32, #tpu.memory_space<hbm>> -> memref<1x32x1024xf32, #tpu.memory_space<hbm>>
    %dma_wait3A_489 = tpu.memref_squeeze %dma_wait3A_488 : memref<1x32x1024xf32, #tpu.memory_space<hbm>> -> memref<32x1024xf32, #tpu.memory_space<hbm>>
    %dma_wait3A_490 = arith.constant 0 : i32
    %dma_wait3A_491 = tpu.memref_slice %arg3[%dma_wait3A_482, %add3A_163, %dma_wait3A_490] : memref<4x4096x1024xf32, #tpu.memory_space<hbm>> -> memref<1x32x1024xf32, #tpu.memory_space<hbm>>
    %dma_wait3A_492 = tpu.memref_squeeze %dma_wait3A_491 : memref<1x32x1024xf32, #tpu.memory_space<hbm>> -> memref<32x1024xf32, #tpu.memory_space<hbm>>
    %dma_wait3A_493 = arith.constant 0 : i32
    %dma_wait3A_494 = arith.constant 0 : i32
    %dma_wait3A_495 = tpu.memref_slice %arg4[%dma_wait3A_481, %dma_wait3A_493, %dma_wait3A_494] : memref<3x32x1024xf32, #tpu.memory_space<vmem>> -> memref<1x32x1024xf32, #tpu.memory_space<vmem>>
    %dma_wait3A_496 = tpu.memref_squeeze %dma_wait3A_495 : memref<1x32x1024xf32, #tpu.memory_space<vmem>> -> memref<32x1024xf32, #tpu.memory_space<vmem>>
    tpu.wait_dma2 semaphore(%arg6 : memref<!tpu.dma_semaphore, #tpu.memory_space<semaphore_mem>>) src(%dma_wait3A_496 : memref<32x1024xf32, #tpu.memory_space<vmem>>) dst(%dma_wait3A_492 : memref<32x1024xf32, #tpu.memory_space<hbm>>)
    %dma_wait3A_497 = arith.constant 1 : i32
    %dma_wait3A_498 = arith.constant 2 : i32
    %dma_wait3A_499 = arith.constant 0 : i32
    %dma_wait3A_500 = arith.constant 0 : i32
    %dma_wait3A_501 = tpu.memref_slice %arg4[%dma_wait3A_497, %dma_wait3A_499, %dma_wait3A_500] : memref<3x32x1024xf32, #tpu.memory_space<vmem>> -> memref<1x32x1024xf32, #tpu.memory_space<vmem>>
    %dma_wait3A_502 = tpu.memref_squeeze %dma_wait3A_501 : memref<1x32x1024xf32, #tpu.memory_space<vmem>> -> memref<32x1024xf32, #tpu.memory_space<vmem>>
    %dma_wait3A_503 = arith.constant 0 : i32
    %dma_wait3A_504 = tpu.memref_slice %arg3[%dma_wait3A_498, %add3A_181, %dma_wait3A_503] : memref<4x4096x1024xf32, #tpu.memory_space<hbm>> -> memref<1x32x1024xf32, #tpu.memory_space<hbm>>
    %dma_wait3A_505 = tpu.memref_squeeze %dma_wait3A_504 : memref<1x32x1024xf32, #tpu.memory_space<hbm>> -> memref<32x1024xf32, #tpu.memory_space<hbm>>
    %dma_wait3A_506 = arith.constant 0 : i32
    %dma_wait3A_507 = tpu.memref_slice %arg3[%dma_wait3A_498, %add3A_181, %dma_wait3A_506] : memref<4x4096x1024xf32, #tpu.memory_space<hbm>> -> memref<1x32x1024xf32, #tpu.memory_space<hbm>>
    %dma_wait3A_508 = tpu.memref_squeeze %dma_wait3A_507 : memref<1x32x1024xf32, #tpu.memory_space<hbm>> -> memref<32x1024xf32, #tpu.memory_space<hbm>>
    %dma_wait3A_509 = arith.constant 0 : i32
    %dma_wait3A_510 = arith.constant 0 : i32
    %dma_wait3A_511 = tpu.memref_slice %arg4[%dma_wait3A_497, %dma_wait3A_509, %dma_wait3A_510] : memref<3x32x1024xf32, #tpu.memory_space<vmem>> -> memref<1x32x1024xf32, #tpu.memory_space<vmem>>
    %dma_wait3A_512 = tpu.memref_squeeze %dma_wait3A_511 : memref<1x32x1024xf32, #tpu.memory_space<vmem>> -> memref<32x1024xf32, #tpu.memory_space<vmem>>
    tpu.wait_dma2 semaphore(%arg6 : memref<!tpu.dma_semaphore, #tpu.memory_space<semaphore_mem>>) src(%dma_wait3A_512 : memref<32x1024xf32, #tpu.memory_space<vmem>>) dst(%dma_wait3A_508 : memref<32x1024xf32, #tpu.memory_space<hbm>>)
    %dma_wait3A_513 = arith.constant 1 : i32
    %dma_wait3A_514 = arith.constant 3 : i32
    %dma_wait3A_515 = arith.constant 0 : i32
    %dma_wait3A_516 = arith.constant 0 : i32
    %dma_wait3A_517 = tpu.memref_slice %arg4[%dma_wait3A_513, %dma_wait3A_515, %dma_wait3A_516] : memref<3x32x1024xf32, #tpu.memory_space<vmem>> -> memref<1x32x1024xf32, #tpu.memory_space<vmem>>
    %dma_wait3A_518 = tpu.memref_squeeze %dma_wait3A_517 : memref<1x32x1024xf32, #tpu.memory_space<vmem>> -> memref<32x1024xf32, #tpu.memory_space<vmem>>
    %dma_wait3A_519 = arith.constant 0 : i32
    %dma_wait3A_520 = tpu.memref_slice %arg3[%dma_wait3A_514, %add3A_199, %dma_wait3A_519] : memref<4x4096x1024xf32, #tpu.memory_space<hbm>> -> memref<1x32x1024xf32, #tpu.memory_space<hbm>>
    %dma_wait3A_521 = tpu.memref_squeeze %dma_wait3A_520 : memref<1x32x1024xf32, #tpu.memory_space<hbm>> -> memref<32x1024xf32, #tpu.memory_space<hbm>>
    %dma_wait3A_522 = arith.constant 0 : i32
    %dma_wait3A_523 = tpu.memref_slice %arg3[%dma_wait3A_514, %add3A_199, %dma_wait3A_522] : memref<4x4096x1024xf32, #tpu.memory_space<hbm>> -> memref<1x32x1024xf32, #tpu.memory_space<hbm>>
    %dma_wait3A_524 = tpu.memref_squeeze %dma_wait3A_523 : memref<1x32x1024xf32, #tpu.memory_space<hbm>> -> memref<32x1024xf32, #tpu.memory_space<hbm>>
    %dma_wait3A_525 = arith.constant 0 : i32
    %dma_wait3A_526 = arith.constant 0 : i32
    %dma_wait3A_527 = tpu.memref_slice %arg4[%dma_wait3A_513, %dma_wait3A_525, %dma_wait3A_526] : memref<3x32x1024xf32, #tpu.memory_space<vmem>> -> memref<1x32x1024xf32, #tpu.memory_space<vmem>>
    %dma_wait3A_528 = tpu.memref_squeeze %dma_wait3A_527 : memref<1x32x1024xf32, #tpu.memory_space<vmem>> -> memref<32x1024xf32, #tpu.memory_space<vmem>>
    tpu.wait_dma2 semaphore(%arg6 : memref<!tpu.dma_semaphore, #tpu.memory_space<semaphore_mem>>) src(%dma_wait3A_528 : memref<32x1024xf32, #tpu.memory_space<vmem>>) dst(%dma_wait3A_524 : memref<32x1024xf32, #tpu.memory_space<hbm>>)
    %dma_wait3A_529 = arith.constant 2 : i32
    %dma_wait3A_530 = arith.constant 0 : i32
    %dma_wait3A_531 = arith.constant 0 : i32
    %dma_wait3A_532 = arith.constant 0 : i32
    %dma_wait3A_533 = tpu.memref_slice %arg4[%dma_wait3A_529, %dma_wait3A_531, %dma_wait3A_532] : memref<3x32x1024xf32, #tpu.memory_space<vmem>> -> memref<1x32x1024xf32, #tpu.memory_space<vmem>>
    %dma_wait3A_534 = tpu.memref_squeeze %dma_wait3A_533 : memref<1x32x1024xf32, #tpu.memory_space<vmem>> -> memref<32x1024xf32, #tpu.memory_space<vmem>>
    %dma_wait3A_535 = arith.constant 0 : i32
    %dma_wait3A_536 = tpu.memref_slice %arg3[%dma_wait3A_530, %add3A_309, %dma_wait3A_535] : memref<4x4096x1024xf32, #tpu.memory_space<hbm>> -> memref<1x32x1024xf32, #tpu.memory_space<hbm>>
    %dma_wait3A_537 = tpu.memref_squeeze %dma_wait3A_536 : memref<1x32x1024xf32, #tpu.memory_space<hbm>> -> memref<32x1024xf32, #tpu.memory_space<hbm>>
    %dma_wait3A_538 = arith.constant 0 : i32
    %dma_wait3A_539 = tpu.memref_slice %arg3[%dma_wait3A_530, %add3A_309, %dma_wait3A_538] : memref<4x4096x1024xf32, #tpu.memory_space<hbm>> -> memref<1x32x1024xf32, #tpu.memory_space<hbm>>
    %dma_wait3A_540 = tpu.memref_squeeze %dma_wait3A_539 : memref<1x32x1024xf32, #tpu.memory_space<hbm>> -> memref<32x1024xf32, #tpu.memory_space<hbm>>
    %dma_wait3A_541 = arith.constant 0 : i32
    %dma_wait3A_542 = arith.constant 0 : i32
    %dma_wait3A_543 = tpu.memref_slice %arg4[%dma_wait3A_529, %dma_wait3A_541, %dma_wait3A_542] : memref<3x32x1024xf32, #tpu.memory_space<vmem>> -> memref<1x32x1024xf32, #tpu.memory_space<vmem>>
    %dma_wait3A_544 = tpu.memref_squeeze %dma_wait3A_543 : memref<1x32x1024xf32, #tpu.memory_space<vmem>> -> memref<32x1024xf32, #tpu.memory_space<vmem>>
    tpu.wait_dma2 semaphore(%arg6 : memref<!tpu.dma_semaphore, #tpu.memory_space<semaphore_mem>>) src(%dma_wait3A_544 : memref<32x1024xf32, #tpu.memory_space<vmem>>) dst(%dma_wait3A_540 : memref<32x1024xf32, #tpu.memory_space<hbm>>)
    %dma_wait3A_545 = arith.constant 2 : i32
    %dma_wait3A_546 = arith.constant 1 : i32
    %dma_wait3A_547 = arith.constant 0 : i32
    %dma_wait3A_548 = arith.constant 0 : i32
    %dma_wait3A_549 = tpu.memref_slice %arg4[%dma_wait3A_545, %dma_wait3A_547, %dma_wait3A_548] : memref<3x32x1024xf32, #tpu.memory_space<vmem>> -> memref<1x32x1024xf32, #tpu.memory_space<vmem>>
    %dma_wait3A_550 = tpu.memref_squeeze %dma_wait3A_549 : memref<1x32x1024xf32, #tpu.memory_space<vmem>> -> memref<32x1024xf32, #tpu.memory_space<vmem>>
    %dma_wait3A_551 = arith.constant 0 : i32
    %dma_wait3A_552 = tpu.memref_slice %arg3[%dma_wait3A_546, %add3A_327, %dma_wait3A_551] : memref<4x4096x1024xf32, #tpu.memory_space<hbm>> -> memref<1x32x1024xf32, #tpu.memory_space<hbm>>
    %dma_wait3A_553 = tpu.memref_squeeze %dma_wait3A_552 : memref<1x32x1024xf32, #tpu.memory_space<hbm>> -> memref<32x1024xf32, #tpu.memory_space<hbm>>
    %dma_wait3A_554 = arith.constant 0 : i32
    %dma_wait3A_555 = tpu.memref_slice %arg3[%dma_wait3A_546, %add3A_327, %dma_wait3A_554] : memref<4x4096x1024xf32, #tpu.memory_space<hbm>> -> memref<1x32x1024xf32, #tpu.memory_space<hbm>>
    %dma_wait3A_556 = tpu.memref_squeeze %dma_wait3A_555 : memref<1x32x1024xf32, #tpu.memory_space<hbm>> -> memref<32x1024xf32, #tpu.memory_space<hbm>>
    %dma_wait3A_557 = arith.constant 0 : i32
    %dma_wait3A_558 = arith.constant 0 : i32
    %dma_wait3A_559 = tpu.memref_slice %arg4[%dma_wait3A_545, %dma_wait3A_557, %dma_wait3A_558] : memref<3x32x1024xf32, #tpu.memory_space<vmem>> -> memref<1x32x1024xf32, #tpu.memory_space<vmem>>
    %dma_wait3A_560 = tpu.memref_squeeze %dma_wait3A_559 : memref<1x32x1024xf32, #tpu.memory_space<vmem>> -> memref<32x1024xf32, #tpu.memory_space<vmem>>
    tpu.wait_dma2 semaphore(%arg6 : memref<!tpu.dma_semaphore, #tpu.memory_space<semaphore_mem>>) src(%dma_wait3A_560 : memref<32x1024xf32, #tpu.memory_space<vmem>>) dst(%dma_wait3A_556 : memref<32x1024xf32, #tpu.memory_space<hbm>>)
    %dma_wait3A_561 = arith.constant 2 : i32
    %dma_wait3A_562 = arith.constant 2 : i32
    %dma_wait3A_563 = arith.constant 0 : i32
    %dma_wait3A_564 = arith.constant 0 : i32
    %dma_wait3A_565 = tpu.memref_slice %arg4[%dma_wait3A_561, %dma_wait3A_563, %dma_wait3A_564] : memref<3x32x1024xf32, #tpu.memory_space<vmem>> -> memref<1x32x1024xf32, #tpu.memory_space<vmem>>
    %dma_wait3A_566 = tpu.memref_squeeze %dma_wait3A_565 : memref<1x32x1024xf32, #tpu.memory_space<vmem>> -> memref<32x1024xf32, #tpu.memory_space<vmem>>
    %dma_wait3A_567 = arith.constant 0 : i32
    %dma_wait3A_568 = tpu.memref_slice %arg3[%dma_wait3A_562, %add3A_345, %dma_wait3A_567] : memref<4x4096x1024xf32, #tpu.memory_space<hbm>> -> memref<1x32x1024xf32, #tpu.memory_space<hbm>>
    %dma_wait3A_569 = tpu.memref_squeeze %dma_wait3A_568 : memref<1x32x1024xf32, #tpu.memory_space<hbm>> -> memref<32x1024xf32, #tpu.memory_space<hbm>>
    %dma_wait3A_570 = arith.constant 0 : i32
    %dma_wait3A_571 = tpu.memref_slice %arg3[%dma_wait3A_562, %add3A_345, %dma_wait3A_570] : memref<4x4096x1024xf32, #tpu.memory_space<hbm>> -> memref<1x32x1024xf32, #tpu.memory_space<hbm>>
    %dma_wait3A_572 = tpu.memref_squeeze %dma_wait3A_571 : memref<1x32x1024xf32, #tpu.memory_space<hbm>> -> memref<32x1024xf32, #tpu.memory_space<hbm>>
    %dma_wait3A_573 = arith.constant 0 : i32
    %dma_wait3A_574 = arith.constant 0 : i32
    %dma_wait3A_575 = tpu.memref_slice %arg4[%dma_wait3A_561, %dma_wait3A_573, %dma_wait3A_574] : memref<3x32x1024xf32, #tpu.memory_space<vmem>> -> memref<1x32x1024xf32, #tpu.memory_space<vmem>>
    %dma_wait3A_576 = tpu.memref_squeeze %dma_wait3A_575 : memref<1x32x1024xf32, #tpu.memory_space<vmem>> -> memref<32x1024xf32, #tpu.memory_space<vmem>>
    tpu.wait_dma2 semaphore(%arg6 : memref<!tpu.dma_semaphore, #tpu.memory_space<semaphore_mem>>) src(%dma_wait3A_576 : memref<32x1024xf32, #tpu.memory_space<vmem>>) dst(%dma_wait3A_572 : memref<32x1024xf32, #tpu.memory_space<hbm>>)
    %dma_wait3A_577 = arith.constant 2 : i32
    %dma_wait3A_578 = arith.constant 3 : i32
    %dma_wait3A_579 = arith.constant 0 : i32
    %dma_wait3A_580 = arith.constant 0 : i32
    %dma_wait3A_581 = tpu.memref_slice %arg4[%dma_wait3A_577, %dma_wait3A_579, %dma_wait3A_580] : memref<3x32x1024xf32, #tpu.memory_space<vmem>> -> memref<1x32x1024xf32, #tpu.memory_space<vmem>>
    %dma_wait3A_582 = tpu.memref_squeeze %dma_wait3A_581 : memref<1x32x1024xf32, #tpu.memory_space<vmem>> -> memref<32x1024xf32, #tpu.memory_space<vmem>>
    %dma_wait3A_583 = arith.constant 0 : i32
    %dma_wait3A_584 = tpu.memref_slice %arg3[%dma_wait3A_578, %add3A_363, %dma_wait3A_583] : memref<4x4096x1024xf32, #tpu.memory_space<hbm>> -> memref<1x32x1024xf32, #tpu.memory_space<hbm>>
    %dma_wait3A_585 = tpu.memref_squeeze %dma_wait3A_584 : memref<1x32x1024xf32, #tpu.memory_space<hbm>> -> memref<32x1024xf32, #tpu.memory_space<hbm>>
    %dma_wait3A_586 = arith.constant 0 : i32
    %dma_wait3A_587 = tpu.memref_slice %arg3[%dma_wait3A_578, %add3A_363, %dma_wait3A_586] : memref<4x4096x1024xf32, #tpu.memory_space<hbm>> -> memref<1x32x1024xf32, #tpu.memory_space<hbm>>
    %dma_wait3A_588 = tpu.memref_squeeze %dma_wait3A_587 : memref<1x32x1024xf32, #tpu.memory_space<hbm>> -> memref<32x1024xf32, #tpu.memory_space<hbm>>
    %dma_wait3A_589 = arith.constant 0 : i32
    %dma_wait3A_590 = arith.constant 0 : i32
    %dma_wait3A_591 = tpu.memref_slice %arg4[%dma_wait3A_577, %dma_wait3A_589, %dma_wait3A_590] : memref<3x32x1024xf32, #tpu.memory_space<vmem>> -> memref<1x32x1024xf32, #tpu.memory_space<vmem>>
    %dma_wait3A_592 = tpu.memref_squeeze %dma_wait3A_591 : memref<1x32x1024xf32, #tpu.memory_space<vmem>> -> memref<32x1024xf32, #tpu.memory_space<vmem>>
    tpu.wait_dma2 semaphore(%arg6 : memref<!tpu.dma_semaphore, #tpu.memory_space<semaphore_mem>>) src(%dma_wait3A_592 : memref<32x1024xf32, #tpu.memory_space<vmem>>) dst(%dma_wait3A_588 : memref<32x1024xf32, #tpu.memory_space<hbm>>)
    %dma_wait3A_593 = arith.constant 0 : i32
    %dma_wait3A_594 = arith.constant 0 : i32
    %dma_wait3A_595 = arith.constant 0 : i32
    %dma_wait3A_596 = arith.constant 0 : i32
    %dma_wait3A_597 = tpu.memref_slice %arg4[%dma_wait3A_593, %dma_wait3A_595, %dma_wait3A_596] : memref<3x32x1024xf32, #tpu.memory_space<vmem>> -> memref<1x32x1024xf32, #tpu.memory_space<vmem>>
    %dma_wait3A_598 = tpu.memref_squeeze %dma_wait3A_597 : memref<1x32x1024xf32, #tpu.memory_space<vmem>> -> memref<32x1024xf32, #tpu.memory_space<vmem>>
    %dma_wait3A_599 = arith.constant 0 : i32
    %dma_wait3A_600 = tpu.memref_slice %arg3[%dma_wait3A_594, %add3A_394, %dma_wait3A_599] : memref<4x4096x1024xf32, #tpu.memory_space<hbm>> -> memref<1x32x1024xf32, #tpu.memory_space<hbm>>
    %dma_wait3A_601 = tpu.memref_squeeze %dma_wait3A_600 : memref<1x32x1024xf32, #tpu.memory_space<hbm>> -> memref<32x1024xf32, #tpu.memory_space<hbm>>
    %dma_wait3A_602 = arith.constant 0 : i32
    %dma_wait3A_603 = tpu.memref_slice %arg3[%dma_wait3A_594, %add3A_394, %dma_wait3A_602] : memref<4x4096x1024xf32, #tpu.memory_space<hbm>> -> memref<1x32x1024xf32, #tpu.memory_space<hbm>>
    %dma_wait3A_604 = tpu.memref_squeeze %dma_wait3A_603 : memref<1x32x1024xf32, #tpu.memory_space<hbm>> -> memref<32x1024xf32, #tpu.memory_space<hbm>>
    %dma_wait3A_605 = arith.constant 0 : i32
    %dma_wait3A_606 = arith.constant 0 : i32
    %dma_wait3A_607 = tpu.memref_slice %arg4[%dma_wait3A_593, %dma_wait3A_605, %dma_wait3A_606] : memref<3x32x1024xf32, #tpu.memory_space<vmem>> -> memref<1x32x1024xf32, #tpu.memory_space<vmem>>
    %dma_wait3A_608 = tpu.memref_squeeze %dma_wait3A_607 : memref<1x32x1024xf32, #tpu.memory_space<vmem>> -> memref<32x1024xf32, #tpu.memory_space<vmem>>
    tpu.wait_dma2 semaphore(%arg6 : memref<!tpu.dma_semaphore, #tpu.memory_space<semaphore_mem>>) src(%dma_wait3A_608 : memref<32x1024xf32, #tpu.memory_space<vmem>>) dst(%dma_wait3A_604 : memref<32x1024xf32, #tpu.memory_space<hbm>>)
    %dma_wait3A_609 = arith.constant 0 : i32
    %dma_wait3A_610 = arith.constant 1 : i32
    %dma_wait3A_611 = arith.constant 0 : i32
    %dma_wait3A_612 = arith.constant 0 : i32
    %dma_wait3A_613 = tpu.memref_slice %arg4[%dma_wait3A_609, %dma_wait3A_611, %dma_wait3A_612] : memref<3x32x1024xf32, #tpu.memory_space<vmem>> -> memref<1x32x1024xf32, #tpu.memory_space<vmem>>
    %dma_wait3A_614 = tpu.memref_squeeze %dma_wait3A_613 : memref<1x32x1024xf32, #tpu.memory_space<vmem>> -> memref<32x1024xf32, #tpu.memory_space<vmem>>
    %dma_wait3A_615 = arith.constant 0 : i32
    %dma_wait3A_616 = tpu.memref_slice %arg3[%dma_wait3A_610, %add3A_412, %dma_wait3A_615] : memref<4x4096x1024xf32, #tpu.memory_space<hbm>> -> memref<1x32x1024xf32, #tpu.memory_space<hbm>>
    %dma_wait3A_617 = tpu.memref_squeeze %dma_wait3A_616 : memref<1x32x1024xf32, #tpu.memory_space<hbm>> -> memref<32x1024xf32, #tpu.memory_space<hbm>>
    %dma_wait3A_618 = arith.constant 0 : i32
    %dma_wait3A_619 = tpu.memref_slice %arg3[%dma_wait3A_610, %add3A_412, %dma_wait3A_618] : memref<4x4096x1024xf32, #tpu.memory_space<hbm>> -> memref<1x32x1024xf32, #tpu.memory_space<hbm>>
    %dma_wait3A_620 = tpu.memref_squeeze %dma_wait3A_619 : memref<1x32x1024xf32, #tpu.memory_space<hbm>> -> memref<32x1024xf32, #tpu.memory_space<hbm>>
    %dma_wait3A_621 = arith.constant 0 : i32
    %dma_wait3A_622 = arith.constant 0 : i32
    %dma_wait3A_623 = tpu.memref_slice %arg4[%dma_wait3A_609, %dma_wait3A_621, %dma_wait3A_622] : memref<3x32x1024xf32, #tpu.memory_space<vmem>> -> memref<1x32x1024xf32, #tpu.memory_space<vmem>>
    %dma_wait3A_624 = tpu.memref_squeeze %dma_wait3A_623 : memref<1x32x1024xf32, #tpu.memory_space<vmem>> -> memref<32x1024xf32, #tpu.memory_space<vmem>>
    tpu.wait_dma2 semaphore(%arg6 : memref<!tpu.dma_semaphore, #tpu.memory_space<semaphore_mem>>) src(%dma_wait3A_624 : memref<32x1024xf32, #tpu.memory_space<vmem>>) dst(%dma_wait3A_620 : memref<32x1024xf32, #tpu.memory_space<hbm>>)
    %dma_wait3A_625 = arith.constant 0 : i32
    %dma_wait3A_626 = arith.constant 2 : i32
    %dma_wait3A_627 = arith.constant 0 : i32
    %dma_wait3A_628 = arith.constant 0 : i32
    %dma_wait3A_629 = tpu.memref_slice %arg4[%dma_wait3A_625, %dma_wait3A_627, %dma_wait3A_628] : memref<3x32x1024xf32, #tpu.memory_space<vmem>> -> memref<1x32x1024xf32, #tpu.memory_space<vmem>>
    %dma_wait3A_630 = tpu.memref_squeeze %dma_wait3A_629 : memref<1x32x1024xf32, #tpu.memory_space<vmem>> -> memref<32x1024xf32, #tpu.memory_space<vmem>>
    %dma_wait3A_631 = arith.constant 0 : i32
    %dma_wait3A_632 = tpu.memref_slice %arg3[%dma_wait3A_626, %add3A_430, %dma_wait3A_631] : memref<4x4096x1024xf32, #tpu.memory_space<hbm>> -> memref<1x32x1024xf32, #tpu.memory_space<hbm>>
    %dma_wait3A_633 = tpu.memref_squeeze %dma_wait3A_632 : memref<1x32x1024xf32, #tpu.memory_space<hbm>> -> memref<32x1024xf32, #tpu.memory_space<hbm>>
    %dma_wait3A_634 = arith.constant 0 : i32
    %dma_wait3A_635 = tpu.memref_slice %arg3[%dma_wait3A_626, %add3A_430, %dma_wait3A_634] : memref<4x4096x1024xf32, #tpu.memory_space<hbm>> -> memref<1x32x1024xf32, #tpu.memory_space<hbm>>
    %dma_wait3A_636 = tpu.memref_squeeze %dma_wait3A_635 : memref<1x32x1024xf32, #tpu.memory_space<hbm>> -> memref<32x1024xf32, #tpu.memory_space<hbm>>
    %dma_wait3A_637 = arith.constant 0 : i32
    %dma_wait3A_638 = arith.constant 0 : i32
    %dma_wait3A_639 = tpu.memref_slice %arg4[%dma_wait3A_625, %dma_wait3A_637, %dma_wait3A_638] : memref<3x32x1024xf32, #tpu.memory_space<vmem>> -> memref<1x32x1024xf32, #tpu.memory_space<vmem>>
    %dma_wait3A_640 = tpu.memref_squeeze %dma_wait3A_639 : memref<1x32x1024xf32, #tpu.memory_space<vmem>> -> memref<32x1024xf32, #tpu.memory_space<vmem>>
    tpu.wait_dma2 semaphore(%arg6 : memref<!tpu.dma_semaphore, #tpu.memory_space<semaphore_mem>>) src(%dma_wait3A_640 : memref<32x1024xf32, #tpu.memory_space<vmem>>) dst(%dma_wait3A_636 : memref<32x1024xf32, #tpu.memory_space<hbm>>)
    %dma_wait3A_641 = arith.constant 0 : i32
    %dma_wait3A_642 = arith.constant 3 : i32
    %dma_wait3A_643 = arith.constant 0 : i32
    %dma_wait3A_644 = arith.constant 0 : i32
    %dma_wait3A_645 = tpu.memref_slice %arg4[%dma_wait3A_641, %dma_wait3A_643, %dma_wait3A_644] : memref<3x32x1024xf32, #tpu.memory_space<vmem>> -> memref<1x32x1024xf32, #tpu.memory_space<vmem>>
    %dma_wait3A_646 = tpu.memref_squeeze %dma_wait3A_645 : memref<1x32x1024xf32, #tpu.memory_space<vmem>> -> memref<32x1024xf32, #tpu.memory_space<vmem>>
    %dma_wait3A_647 = arith.constant 0 : i32
    %dma_wait3A_648 = tpu.memref_slice %arg3[%dma_wait3A_642, %add3A_448, %dma_wait3A_647] : memref<4x4096x1024xf32, #tpu.memory_space<hbm>> -> memref<1x32x1024xf32, #tpu.memory_space<hbm>>
    %dma_wait3A_649 = tpu.memref_squeeze %dma_wait3A_648 : memref<1x32x1024xf32, #tpu.memory_space<hbm>> -> memref<32x1024xf32, #tpu.memory_space<hbm>>
    %dma_wait3A_650 = arith.constant 0 : i32
    %dma_wait3A_651 = tpu.memref_slice %arg3[%dma_wait3A_642, %add3A_448, %dma_wait3A_650] : memref<4x4096x1024xf32, #tpu.memory_space<hbm>> -> memref<1x32x1024xf32, #tpu.memory_space<hbm>>
    %dma_wait3A_652 = tpu.memref_squeeze %dma_wait3A_651 : memref<1x32x1024xf32, #tpu.memory_space<hbm>> -> memref<32x1024xf32, #tpu.memory_space<hbm>>
    %dma_wait3A_653 = arith.constant 0 : i32
    %dma_wait3A_654 = arith.constant 0 : i32
    %dma_wait3A_655 = tpu.memref_slice %arg4[%dma_wait3A_641, %dma_wait3A_653, %dma_wait3A_654] : memref<3x32x1024xf32, #tpu.memory_space<vmem>> -> memref<1x32x1024xf32, #tpu.memory_space<vmem>>
    %dma_wait3A_656 = tpu.memref_squeeze %dma_wait3A_655 : memref<1x32x1024xf32, #tpu.memory_space<vmem>> -> memref<32x1024xf32, #tpu.memory_space<vmem>>
    tpu.wait_dma2 semaphore(%arg6 : memref<!tpu.dma_semaphore, #tpu.memory_space<semaphore_mem>>) src(%dma_wait3A_656 : memref<32x1024xf32, #tpu.memory_space<vmem>>) dst(%dma_wait3A_652 : memref<32x1024xf32, #tpu.memory_space<hbm>>)
    return
  }
}

</mosaic_0001>

<sc_bundles>
// kernel: kernel.3.cloned.1.call-start
scs
__scs_entry_jumppad:
0x0: {  	(pc) =	sbr.rel $0x88, $3  }
0x1: {  	(tag) =	ssettag $0x0;
	lr =	simm.s32 $0x1  }
0x2: {  	[smem:$0x3FA0] =	sst lr;
	_ =	strace $0xD0000000  }
0x3: {  	_ = 	snop  }
0x4: {  	_ = 	snop  }
0x5: {  	_ = 	snop  }
0x6: {  	_ = 	snop  }
0x7: {  	_ = 	snop  }
__scs_overlays_trampoline_lowered:
0x8: {  	[smem:$0x3FAF] =	sst s0  }
0x9: {  	[smem:$0x3FB0] =	sst s1  }
0xa: {  	[smem:$0x3FB1] =	sst s2  }
0xb: {  	[smem:$0x3FB2] =	sst s3  }
0xc: {  	[smem:$0x3FB3] =	sst s4  }
0xd: {  	[smem:$0x3FB4] =	sst s5  }
0xe: {  	[smem:$0x3FB5] =	sst s6  }
0xf: {  	[smem:$0x3FB6] =	sst s7  }
0x10: {  	[smem:$0x3FB7] =	sst s8  }
0x11: {  	[smem:$0x3FB8] =	sst s9;
	s0 =	simm.s32 @!p0 $0x0  }
0x12: {  	s1 =	sld [smem:$0x3F9E];
	s0 =	simm.s32 @p0 $0x1  }
0x13: {  	[smem:$0x3FB9] =	sst s0;
	s0 =	simm.s32 @!p1 $0x0  }
0x14: {  	s2 =	sld [smem:$0x3F9D];
	s0 =	simm.s32 @p1 $0x1  }
0x15: {  	[smem:$0x3FBA] =	sst s0;
	s0 =	simm.s32 @!p2 $0x0  }
0x16: {  	s3 =	sld [smem:$0x3FDB];
	s0 =	simm.s32 @p2 $0x1  }
0x17: {  	s4 =	simm.s32 $0x1BF5;
	[smem:$0x3FBC] =	sst s0  }
0x18: {  	s0 =	sld [smem:$0x3F9F];
	_ =	swait.ge [sflag:s4], $0x0  }
0x19: {  	s7 =	sld [smem:$0x3FA0]  }
0x1a: {  	s8 =	sadd.s32 $0xFFFFE003, lr  }
0x1b: {  	s9 =	sadd.s32 $0xFFFFFEF7, lr;
	s5 =	simm.s32 $0xFFFFFFFF;
	p2 =	slt.u32 s8, $0xFFFFF086  }
0x1c: {  	p1 =	slt.u32 s9, $0xF7A;
	s5 =	simm.s32 @!p2 $0x0  }
0x1d: {  	s5 =	simm.s32 @p1 $0x1;
	p0 =	seq.s32 s7, s2  }
0x1e: {  	s7 =	smul.u32 @!p0 $0xF7A, s2;
	p2 =	seq.s32 @!p0 s5, $0x0  }
0x1f: {  	s9 =	smul.u32 $0xF7A, s1;
	s8 =	simm.s32 @!p0 $0x1BF5;
	p2 =	por !p2, p0  }
0x20: {  	[sflag:s8] =	ssyncset.s32 @!p0 $0xFFFFF086;
	s6 =	sadd.s32 @!p0 s3, s7;
	s7 =	simm.s32 @!p0 $0x108  }
0x21: {  	s3 =	sadd.s32 s3, s9;
	s6 =	sadd.s32 @!p0 $0x88, s6;
	s7 =	simm.s32 @p2 $0x1082  }
0x22: {  	[simem:s7], [sflag:s8] =	dma.local @!p0 [hbm:s6], $0xF7A  }
0x23: {  	s9 =	sor.u32 $0xD0000000, s2;
	s6 =	simm.s32 $0x108;
	_ =	swait.ge @!p0 [sflag:s8], $0x0  }
0x24: {  	s3 =	sadd.s32 $0x88, s3;
	s6 =	simm.s32 @!p1 $0x1082;
	[sflag:s4] =	ssyncset.s32 $0xFFFFF086  }
0x25: {  	[simem:s6], [sflag:s4] =	dma.local [hbm:s3], $0xF7A  }
0x26: {  	[smem:$0x3FA0] =	sst s1;
	(tag) =	ssettag s2;
	_ =	strace s9  }
0x27: {  	s1 =	sld [smem:$0x3FB0]  }
0x28: {  	s2 =	sld [smem:$0x3FB1]  }
0x29: {  	s4 =	sld [smem:$0x3FB3]  }
0x2a: {  	p0 =	seq.s32 s5, $0x0;
	s5 =	sld [smem:$0x3FB4]  }
0x2b: {  	s6 =	sld [smem:$0x3FB5]  }
0x2c: {  	s7 =	sld [smem:$0x3FB6]  }
0x2d: {  	s3 =	simm.s32 $0x108;
	s8 =	sld [smem:$0x3FB7]  }
0x2e: {  	s3 =	simm.s32 @!p0 $0x1082;
	s9 =	sld [smem:$0x3FB8]  }
0x2f: {  	lr =	sadd.s32 s0, s3;
	s0 =	sld [smem:$0x3FAF]  }
0x30: {  	s3 =	sld [smem:$0x3FB2]  }
0x31: {  	[smem:$0x3FBB] =	sst s10  }
0x32: {  	s10 =	sld [smem:$0x3FB9];
	_ =	sdelay $0x3  }
0x33: {  	p0 =	seq.s32 s10, $0x1;
	s10 =	sld [smem:$0x3FBB];
	_ =	sdelay $0x3  }
0x34: {  	[smem:$0x3FBB] =	sst s10  }
0x35: {  	s10 =	sld [smem:$0x3FBA];
	_ =	sdelay $0x3  }
0x36: {  	p1 =	seq.s32 s10, $0x1;
	s10 =	sld [smem:$0x3FBB];
	_ =	sdelay $0x3  }
0x37: {  	[smem:$0x3FBB] =	sst s10  }
0x38: {  	s10 =	sld [smem:$0x3FBC]  }
0x39: {  	_ = 	snop;
	(pc) =	sbr.ind lr, $3  }
0x3a: {  	_ = 	snop  }
0x3b: {  	_ = 	snop  }
0x3c: {  	p2 =	seq.s32 s10, $0x1;
	s10 =	sld [smem:$0x3FBB]  }
0x3d: {  	_ =	shalt  }
0x3e: {  	_ =	shalt  }
0x3f: {  	_ =	shalt  }
0x40: {  	_ =	shalt  }
0x41: {  	_ =	shalt  }
0x42: {  	_ =	shalt  }
0x43: {  	_ =	shalt  }
0x44: {  	_ =	shalt  }
0x45: {  	_ =	shalt  }
0x46: {  	_ =	shalt  }
0x47: {  	_ =	shalt  }
0x48: {  	_ =	shalt  }
0x49: {  	_ =	shalt  }
0x4a: {  	_ =	shalt  }
0x4b: {  	_ =	shalt  }
0x4c: {  	_ =	shalt  }
0x4d: {  	_ =	shalt  }
0x4e: {  	_ =	shalt  }
0x4f: {  	_ =	shalt  }
0x50: {  	_ =	shalt  }
0x51: {  	_ =	shalt  }
0x52: {  	_ =	shalt  }
0x53: {  	_ =	shalt  }
0x54: {  	_ =	shalt  }
0x55: {  	_ =	shalt  }
0x56: {  	_ =	shalt  }
0x57: {  	_ =	shalt  }
0x58: {  	_ =	shalt  }
0x59: {  	_ =	shalt  }
0x5a: {  	_ =	shalt  }
0x5b: {  	_ =	shalt  }
0x5c: {  	_ =	shalt  }
0x5d: {  	_ =	shalt  }
0x5e: {  	_ =	shalt  }
0x5f: {  	_ =	shalt  }
0x60: {  	_ =	shalt  }
0x61: {  	_ =	shalt  }
0x62: {  	_ =	shalt  }
0x63: {  	_ =	shalt  }
0x64: {  	_ =	shalt  }
0x65: {  	_ =	shalt  }
0x66: {  	_ =	shalt  }
0x67: {  	_ =	shalt  }
0x68: {  	_ =	shalt  }
0x69: {  	_ =	shalt  }
0x6a: {  	_ =	shalt  }
0x6b: {  	_ =	shalt  }
0x6c: {  	_ =	shalt  }
0x6d: {  	_ =	shalt  }
0x6e: {  	_ =	shalt  }
0x6f: {  	_ =	shalt  }
0x70: {  	_ =	shalt  }
0x71: {  	_ =	shalt  }
0x72: {  	_ =	shalt  }
0x73: {  	_ =	shalt  }
0x74: {  	_ =	shalt  }
0x75: {  	_ =	shalt  }
0x76: {  	_ =	shalt  }
0x77: {  	_ =	shalt  }
0x78: {  	_ =	shalt  }
0x79: {  	_ =	shalt  }
0x7a: {  	_ =	shalt  }
0x7b: {  	_ =	shalt  }
0x7c: {  	_ =	shalt  }
0x7d: {  	_ =	shalt  }
0x7e: {  	_ =	shalt  }
0x7f: {  	_ =	shalt  }
0x80: {  	_ =	shalt  }
0x81: {  	_ =	shalt  }
0x82: {  	_ =	shalt  }
0x83: {  	_ =	shalt  }
0x84: {  	_ =	shalt  }
0x85: {  	_ =	shalt  }
0x86: {  	_ =	shalt  }
0x87: {  	_ =	shalt  }
.Lfunc_end0:
.L_simem_size_0:
called_computation_lowered:
.L_overlay_start_0:
0x88: {  	s2 =	sld [smem:$0x3FD9]  }
0x89: {  	s3 =	sld [smem:$0x3FFE];
	_ =	sdelay $0x1  }
0x8a: {  	s1 =	srdreg.scid  }
0x8b: {  	s0 =	sand.u32 $0x1, s1  }
0x8c: {  	s18 =	sshll.u32 s0, $0xA;
	s2 =	sadd.s32 s3, s2  }
0x8d: {  	s2 =	sadd.s32 s2, s18  }
0x8e: {  	[smem:$0x3FC7] =	sst s2  }
0x8f: {  	_ = 	snop  }
0x90: {  	s2 =	sld [smem:$0x3FC9]  }
0x91: {  	s19 =	sld [smem:$0x3FD0];
	(tm) =	ssettm $0x1  }
0x92: {  	s4 =	sld [smem:$0x3FFB];
	_ =	sdelay $0x3  }
0x93: {  	_ =	strace s4  }
0x94: {  	s4 =	sld [smem:$0x3FFC];
	_ =	sdelay $0x3  }
0x95: {  	_ =	strace s4  }
0x96: {  	s4 =	sld [smem:$0x3FFD];
	_ =	sdelay $0x3  }
0x97: {  	_ =	strace s4  }
0x98: {  	_ =	strace $0x8FFFFFFF  }
0x99: {  	s20 =	sld [smem:$0x3FDB];
	_ =	sdelay $0x1  }
0x9a: {  	s5 =	simm.s32 $_scs_section_size  }
0x9b: {  	s6 =	simm.s32 $_size__tile_overlayer_lowered;
	s7 =	simm.s32 $_tile_overlayer_lowered  }
0x9c: {  	s23 =	simm.s32 $0x1BFF;
	s22 =	sshll.u32 s7, $0x1;
	s4 =	sadd.s32 s5, s20  }
0x9d: {  	s8 =	simm.s32 $0x0;
	s21 =	sshll.u32 s6, $0x1;
	s6 =	sadd.s32 s22, s4  }
0x9e: {  	[timem:s8], [sflag:s23] =	dma.local [hbm:s6], s21  }
0x9f: {  	_ =	swait.ge [sflag:s23], s21  }
0xa0: {  	s5 =	ssub.s32 $0x0, s21;
	[sflag:s23] =	ssyncset.done $0x0  }
0xa1: {  	[sflag:s23] =	ssyncadd.s32 s5;
	_ =	sdelay $0x1  }
0xa2: {  	s24 =	simm.s32 $0x1B8B  }
0xa3: {  	_ =	swait.ge [sflag:s24], $0x1  }
0xa4: {  	[sflag:s24] =	ssyncset.done $0x0  }
0xa5: {  	s25 =	simm.s32 $0x1B8E;
	[sflag:s24] =	ssyncadd.s32 $0xFFFFFFFF  }
0xa6: {  	s26 =	simm.s32 $execute0_lowered;
	[smem:$0x3FD2] =	sst s25  }
0xa7: {  	s5 =	sshll.u32 s26, $0x1;
	_ =	strace $0x80000046;
	[dreg:$0x1] =	wrdreg $0xFFFFFFFF  }
0xa8: {  	s28 =	simm.s32 $_size_execute0_lowered;
	s4 =	sadd.s32 s4, s5;
	[dreg:$0x0] =	wrdreg $0x0  }
0xa9: {  	s5 =	sshll.u32 s28, $0x1;
	[dreg:$0x2] =	wrdreg s4  }
0xaa: {  	[dreg:$0x3] =	wrdreg s5  }
0xab: {  	[dreg:$0x4] =	wrdreg $0xC0  }
0xac: {  	_ =	task [dreg:s8], $0x5FFFF  }
0xad: {  	[dreg:$0x1] =	wrdreg $0xFFFFFFFF  }
0xae: {  	[dreg:$0x0] =	wrdreg $0x60  }
0xaf: {  	[dreg:$0x2] =	wrdreg s2  }
0xb0: {  	[dreg:$0x3] =	wrdreg s19  }
0xb1: {  	[dreg:$0x4] =	wrdreg $0x9  }
0xb2: {  	_ =	task.clear_ibuf [dreg:s8], $0x5FFFF;
	_ =	strace $0x90000046  }
0xb3: {  	s29 =	simm.s32 $0x9;
	_ =	strace $0x80000048  }
0xb4: {  	_ =	swait.ge [sflag:s29], $0x1  }
0xb5: {  	[sflag:s29] =	ssyncadd.s32 $0xFFFFFFFF  }
0xb6: {  	_ =	strace $0x90000048  }
0xb7: {  	_ =	sfence  }
0xb8: {  	s30 =	sld [smem:$0x0];
	_ =	sdelay $0x2  }
0xb9: {  	s31 =	sshll.u32 s1, $0xD;
	s1 =	sshrl.u32 s1, $0x2  }
0xba: {  	s3 =	sand.u32 $0x4000, s31;
	s1 =	sadd.s32 s1, s30  }
0xbb: {  	s0 =	sor.u32 s3, s0;
	s1 =	sshll.u32 s1, $0x11  }
0xbc: {  	s0 =	sor.u32 s1, s0  }
0xbd: {  	s0 =	sadd.s32 $0x8F2B, s0  }
0xbe: {  	[sflag:s0] =	ssyncadd.remote.s32 $0x1  }
0xbf: {  	_ =	sfence.sel $0xFFFF  }
0xc0: {  	[dreg:$0x0] =	wrdreg $0xFFFFFFFF;
	(pc) =	sbr.abs _section_cstart, $3  }
0xc1: {  	[dreg:$0x1] =	wrdreg $0xFFFFFFFF  }
0xc2: {  	_ =	task.clear_ibuf [dreg:s8], $0x2FFFF;
	_ =	strace $0x9FFFFFFF  }
0xc3: {  	(tm) =	ssettm $0x7FFFFFFF  }
tec
execute0_lowered:
.L_overlay_start_1:
0x0: {  	(tag) =	ssettag $0x1  }
0x1: {  	s18 =	rddreg [dreg:$0x0]  }
0x2: {  	s23 =	rddreg [dreg:$0x1];
	s2 =	srdreg.scid  }
0x3: {  	s0 =	rddreg [dreg:$0x2];
	s1 =	stileid.u32;
	s28 =	sand.u32 $0x1, s2  }
0x4: {  	s2 =	simm.s32 $0x0;
	s4 =	sshll.u32 s1, $0xE;
	s3 =	sshll.u32 s28, $0x12  }
0x5: {  	[smem:$0x7FF] =	sst s2;
	s19 =	sor.u32 s4, s3  }
0x6: {  	_ =	strace $0x80000047;
	s3 =	sadd.s32 s18, s19;
	s13 =	sor.u32 $0x1000, s19  }
0x7: {  	[tilespmem:s2], [sflag:$0x1] =	stream.linear.gather [hbm4b:s3+s2], $0x8000, $0x38;
	[tilespmem:$0x18000] =	vst v63  }
0x8: {  	s5 =	simm.s32 $0x8000;
	s6 =	simm.s32 $0x1;
	s4 =	sadd.s32 s18, s13  }
0x9: {  	[tilespmem:s5], [sflag:$0x1] =	stream.linear.gather [hbm4b:s4+s2], $0x8000, $0x38;
	[tilespmem:$0x18000] =	vst v63  }
0xa: {  	_ =	swait.ge [sflag:s6], $0x8000  }
0xb: {  	[sflag:s6] =	ssyncset.done $0x0  }
0xc: {  	s7 =	sadd.s32 s23, s19;
	[sflag:s6] =	ssyncadd.s32 $0xFFFF8000  }
0xd: {  	[hbm4b:s7+s2] =	stream.linear.scatter [tilespmem:s2], [sflag:$0x2], $0x8000, $0x38;
	[tilespmem:$0x18000] =	vst v63  }
0xe: {  	s8 =	sadd.s32 $0x80000, s7  }
0xf: {  	[hbm4b:s8+s2] =	stream.linear.scatter [tilespmem:s2], [sflag:$0x2], $0x8000, $0x38;
	[tilespmem:$0x18000] =	vst v63  }
0x10: {  	s9 =	sadd.s32 $0x100000, s7  }
0x11: {  	[hbm4b:s9+s2] =	stream.linear.scatter [tilespmem:s2], [sflag:$0x2], $0x8000, $0x38;
	[tilespmem:$0x18000] =	vst v63  }
0x12: {  	s20 =	sor.u32 $0x2000, s19;
	s10 =	sadd.s32 $0x180000, s7  }
0x13: {  	[hbm4b:s10+s2] =	stream.linear.scatter [tilespmem:s2], [sflag:$0x2], $0x8000, $0x38;
	[tilespmem:$0x18000] =	vst v63  }
0x14: {  	s12 =	simm.s32 $0x10000;
	s11 =	sadd.s32 s18, s20  }
0x15: {  	[tilespmem:s12], [sflag:$0x1] =	stream.linear.gather [hbm4b:s11+s2], $0x8000, $0x38;
	[tilespmem:$0x18000] =	vst v63  }
0x16: {  	_ =	swait.ge [sflag:s6], $0x8000  }
0x17: {  	[sflag:s6] =	ssyncset.done $0x0  }
0x18: {  	s13 =	sadd.s32 s23, s13;
	[sflag:s6] =	ssyncadd.s32 $0xFFFF8000  }
0x19: {  	[hbm4b:s13+s2] =	stream.linear.scatter [tilespmem:s5], [sflag:$0x2], $0x8000, $0x38;
	[tilespmem:$0x18000] =	vst v63  }
0x1a: {  	s14 =	sadd.s32 $0x81000, s7  }
0x1b: {  	[hbm4b:s14+s2] =	stream.linear.scatter [tilespmem:s5], [sflag:$0x2], $0x8000, $0x38;
	[tilespmem:$0x18000] =	vst v63  }
0x1c: {  	s15 =	sadd.s32 $0x101000, s7  }
0x1d: {  	[hbm4b:s15+s2] =	stream.linear.scatter [tilespmem:s5], [sflag:$0x2], $0x8000, $0x38;
	[tilespmem:$0x18000] =	vst v63  }
0x1e: {  	s16 =	simm.s32 $0x2;
	s17 =	sadd.s32 $0x181000, s7  }
0x1f: {  	[hbm4b:s17+s2] =	stream.linear.scatter [tilespmem:s5], [sflag:$0x2], $0x8000, $0x38;
	[tilespmem:$0x18000] =	vst v63  }
0x20: {  	_ =	swait.ge [sflag:s16], $0x8000  }
0x21: {  	[sflag:s16] =	ssyncset.done $0x0  }
0x22: {  	[sflag:s16] =	ssyncadd.s32 $0xFFFF8000  }
0x23: {  	_ =	swait.ge [sflag:s16], $0x8000  }
0x24: {  	[sflag:s16] =	ssyncset.done $0x0  }
0x25: {  	[sflag:s16] =	ssyncadd.s32 $0xFFFF8000  }
0x26: {  	_ =	swait.ge [sflag:s16], $0x8000  }
0x27: {  	[sflag:s16] =	ssyncset.done $0x0  }
0x28: {  	[sflag:s16] =	ssyncadd.s32 $0xFFFF8000  }
0x29: {  	_ =	swait.ge [sflag:s16], $0x8000  }
0x2a: {  	s24 =	sor.u32 $0x3000, s19;
	[sflag:s16] =	ssyncset.done $0x0  }
0x2b: {  	s18 =	sadd.s32 s18, s24;
	[sflag:s16] =	ssyncadd.s32 $0xFFFF8000  }
0x2c: {  	[tilespmem:s2], [sflag:$0x1] =	stream.linear.gather [hbm4b:s18+s2], $0x8000, $0x38;
	[tilespmem:$0x18000] =	vst v63  }
0x2d: {  	_ =	swait.ge [sflag:s6], $0x8000  }
0x2e: {  	[sflag:s6] =	ssyncset.done $0x0  }
0x2f: {  	s19 =	sadd.s32 s23, s20;
	[sflag:s6] =	ssyncadd.s32 $0xFFFF8000  }
0x30: {  	[hbm4b:s19+s2] =	stream.linear.scatter [tilespmem:s12], [sflag:$0x2], $0x8000, $0x38;
	[tilespmem:$0x18000] =	vst v63  }
0x31: {  	s20 =	sadd.s32 $0x82000, s7  }
0x32: {  	[hbm4b:s20+s2] =	stream.linear.scatter [tilespmem:s12], [sflag:$0x2], $0x8000, $0x38;
	[tilespmem:$0x18000] =	vst v63  }
0x33: {  	s21 =	sadd.s32 $0x102000, s7  }
0x34: {  	[hbm4b:s21+s2] =	stream.linear.scatter [tilespmem:s12], [sflag:$0x2], $0x8000, $0x38;
	[tilespmem:$0x18000] =	vst v63  }
0x35: {  	s22 =	sadd.s32 $0x182000, s7  }
0x36: {  	[hbm4b:s22+s2] =	stream.linear.scatter [tilespmem:s12], [sflag:$0x2], $0x8000, $0x38;
	[tilespmem:$0x18000] =	vst v63  }
0x37: {  	_ =	swait.ge [sflag:s6], $0x8000  }
0x38: {  	[sflag:s6] =	ssyncset.done $0x0  }
0x39: {  	s23 =	sadd.s32 s23, s24;
	[sflag:s6] =	ssyncadd.s32 $0xFFFF8000  }
0x3a: {  	[hbm4b:s23+s2] =	stream.linear.scatter [tilespmem:s2], [sflag:$0x2], $0x8000, $0x38;
	[tilespmem:$0x18000] =	vst v63  }
0x3b: {  	s24 =	sadd.s32 $0x83000, s7  }
0x3c: {  	[hbm4b:s24+s2] =	stream.linear.scatter [tilespmem:s2], [sflag:$0x2], $0x8000, $0x38;
	[tilespmem:$0x18000] =	vst v63  }
0x3d: {  	s25 =	sadd.s32 $0x103000, s7  }
0x3e: {  	[hbm4b:s25+s2] =	stream.linear.scatter [tilespmem:s2], [sflag:$0x2], $0x8000, $0x38;
	[tilespmem:$0x18000] =	vst v63  }
0x3f: {  	s26 =	sadd.s32 $0x183000, s7  }
0x40: {  	[hbm4b:s26+s2] =	stream.linear.scatter [tilespmem:s2], [sflag:$0x2], $0x8000, $0x38;
	[tilespmem:$0x18000] =	vst v63  }
0x41: {  	_ =	swait.ge [sflag:s16], $0x8000  }
0x42: {  	[sflag:s16] =	ssyncset.done $0x0  }
0x43: {  	[sflag:s16] =	ssyncadd.s32 $0xFFFF8000  }
0x44: {  	_ =	swait.ge [sflag:s16], $0x8000  }
0x45: {  	[sflag:s16] =	ssyncset.done $0x0  }
0x46: {  	[sflag:s16] =	ssyncadd.s32 $0xFFFF8000  }
0x47: {  	_ =	swait.ge [sflag:s16], $0x8000  }
0x48: {  	[sflag:s16] =	ssyncset.done $0x0  }
0x49: {  	[sflag:s16] =	ssyncadd.s32 $0xFFFF8000  }
0x4a: {  	_ =	swait.ge [sflag:s16], $0x8000  }
0x4b: {  	[sflag:s16] =	ssyncset.done $0x0  }
0x4c: {  	[sflag:s16] =	ssyncadd.s32 $0xFFFF8000  }
0x4d: {  	_ =	swait.ge [sflag:s16], $0x8000  }
0x4e: {  	[sflag:s16] =	ssyncset.done $0x0  }
0x4f: {  	[sflag:s16] =	ssyncadd.s32 $0xFFFF8000  }
0x50: {  	_ =	swait.ge [sflag:s16], $0x8000  }
0x51: {  	[sflag:s16] =	ssyncset.done $0x0  }
0x52: {  	[sflag:s16] =	ssyncadd.s32 $0xFFFF8000  }
0x53: {  	_ =	swait.ge [sflag:s16], $0x8000  }
0x54: {  	[sflag:s16] =	ssyncset.done $0x0  }
0x55: {  	[sflag:s16] =	ssyncadd.s32 $0xFFFF8000  }
0x56: {  	_ =	swait.ge [sflag:s16], $0x8000  }
0x57: {  	[sflag:s16] =	ssyncset.done $0x0  }
0x58: {  	[sflag:s16] =	ssyncadd.s32 $0xFFFF8000  }
0x59: {  	_ =	swait.ge [sflag:s16], $0x8000  }
0x5a: {  	s28 =	ssub.s32 $0x2, s28;
	[sflag:s16] =	ssyncset.done $0x0  }
0x5b: {  	s29 =	sshrl.u32 s28, $0x1;
	[sflag:s16] =	ssyncadd.s32 $0xFFFF8000  }
0x5c: {  	s28 =	ssub.s32 s28, s29;
	_ =	swait.ge [sflag:s16], $0x8000  }
0x5d: {  	s28 =	smax.u32 s28, $0x1;
	[sflag:s16] =	ssyncset.done $0x0  }
0x5e: {  	p0 =	sne.s32 s28, $0x1;
	[sflag:s16] =	ssyncadd.s32 $0xFFFF8000  }
.Ltmp0:
0x5f: {  	_ =	swait.ge [sflag:s16], $0x8000;
	(pc) =	sbr.rel @!p0 .LBB2_2-.Ltmp0, $4  }
0x60: {  	[sflag:s16] =	ssyncset.done $0x0  }
0x61: {  	[sflag:s16] =	ssyncadd.s32 $0xFFFF8000  }
0x62: {  	_ =	swait.ge [sflag:s16], $0x8000  }
0x63: {  	s28 =	sadd.s32 $0xFFFFFFFF, s28;
	[sflag:s16] =	ssyncset.done $0x0  }
.LBB2_1:
0x64: {  	p0 =	sne.s32 s28, $0x1;
	s28 =	sadd.s32 $0xFFFFFFFF, s28;
	[sflag:s16] =	ssyncadd.s32 $0xFFFF8000  }
0x65: {  	[tilespmem:s2], [sflag:$0x1] =	stream.linear.gather [hbm4b:s3+s2], $0x8000, $0x38;
	[tilespmem:$0x18000] =	vst v63  }
0x66: {  	_ = 	snop  }
0x67: {  	[tilespmem:s5], [sflag:$0x1] =	stream.linear.gather [hbm4b:s4+s2], $0x8000, $0x38;
	[tilespmem:$0x18000] =	vst v63  }
0x68: {  	_ =	swait.ge [sflag:s6], $0x8000  }
0x69: {  	[sflag:s6] =	ssyncset.done $0x0  }
0x6a: {  	[sflag:s6] =	ssyncadd.s32 $0xFFFF8000  }
0x6b: {  	[hbm4b:s7+s2] =	stream.linear.scatter [tilespmem:s2], [sflag:$0x2], $0x8000, $0x38;
	[tilespmem:$0x18000] =	vst v63  }
0x6c: {  	_ = 	snop  }
0x6d: {  	[hbm4b:s8+s2] =	stream.linear.scatter [tilespmem:s2], [sflag:$0x2], $0x8000, $0x38;
	[tilespmem:$0x18000] =	vst v63  }
0x6e: {  	_ = 	snop  }
0x6f: {  	[hbm4b:s9+s2] =	stream.linear.scatter [tilespmem:s2], [sflag:$0x2], $0x8000, $0x38;
	[tilespmem:$0x18000] =	vst v63  }
0x70: {  	_ = 	snop  }
0x71: {  	[hbm4b:s10+s2] =	stream.linear.scatter [tilespmem:s2], [sflag:$0x2], $0x8000, $0x38;
	[tilespmem:$0x18000] =	vst v63  }
0x72: {  	_ = 	snop  }
0x73: {  	[tilespmem:s12], [sflag:$0x1] =	stream.linear.gather [hbm4b:s11+s2], $0x8000, $0x38;
	[tilespmem:$0x18000] =	vst v63  }
0x74: {  	_ =	swait.ge [sflag:s6], $0x8000  }
0x75: {  	[sflag:s6] =	ssyncset.done $0x0  }
0x76: {  	[sflag:s6] =	ssyncadd.s32 $0xFFFF8000  }
0x77: {  	[hbm4b:s13+s2] =	stream.linear.scatter [tilespmem:s5], [sflag:$0x2], $0x8000, $0x38;
	[tilespmem:$0x18000] =	vst v63  }
0x78: {  	_ = 	snop  }
0x79: {  	[hbm4b:s14+s2] =	stream.linear.scatter [tilespmem:s5], [sflag:$0x2], $0x8000, $0x38;
	[tilespmem:$0x18000] =	vst v63  }
0x7a: {  	_ = 	snop  }
0x7b: {  	[hbm4b:s15+s2] =	stream.linear.scatter [tilespmem:s5], [sflag:$0x2], $0x8000, $0x38;
	[tilespmem:$0x18000] =	vst v63  }
0x7c: {  	_ = 	snop  }
0x7d: {  	[hbm4b:s17+s2] =	stream.linear.scatter [tilespmem:s5], [sflag:$0x2], $0x8000, $0x38;
	[tilespmem:$0x18000] =	vst v63  }
0x7e: {  	_ =	swait.ge [sflag:s16], $0x8000  }
0x7f: {  	[sflag:s16] =	ssyncset.done $0x0  }
0x80: {  	[sflag:s16] =	ssyncadd.s32 $0xFFFF8000  }
0x81: {  	_ =	swait.ge [sflag:s16], $0x8000  }
0x82: {  	[sflag:s16] =	ssyncset.done $0x0  }
0x83: {  	[sflag:s16] =	ssyncadd.s32 $0xFFFF8000  }
0x84: {  	_ =	swait.ge [sflag:s16], $0x8000  }
0x85: {  	[sflag:s16] =	ssyncset.done $0x0  }
0x86: {  	[sflag:s16] =	ssyncadd.s32 $0xFFFF8000  }
0x87: {  	_ =	swait.ge [sflag:s16], $0x8000  }
0x88: {  	[sflag:s16] =	ssyncset.done $0x0  }
0x89: {  	[sflag:s16] =	ssyncadd.s32 $0xFFFF8000  }
0x8a: {  	[tilespmem:s2], [sflag:$0x1] =	stream.linear.gather [hbm4b:s18+s2], $0x8000, $0x38;
	[tilespmem:$0x18000] =	vst v63  }
0x8b: {  	_ =	swait.ge [sflag:s6], $0x8000  }
0x8c: {  	[sflag:s6] =	ssyncset.done $0x0  }
0x8d: {  	[sflag:s6] =	ssyncadd.s32 $0xFFFF8000  }
0x8e: {  	[hbm4b:s19+s2] =	stream.linear.scatter [tilespmem:s12], [sflag:$0x2], $0x8000, $0x38;
	[tilespmem:$0x18000] =	vst v63  }
0x8f: {  	_ = 	snop  }
0x90: {  	[hbm4b:s20+s2] =	stream.linear.scatter [tilespmem:s12], [sflag:$0x2], $0x8000, $0x38;
	[tilespmem:$0x18000] =	vst v63  }
0x91: {  	_ = 	snop  }
0x92: {  	[hbm4b:s21+s2] =	stream.linear.scatter [tilespmem:s12], [sflag:$0x2], $0x8000, $0x38;
	[tilespmem:$0x18000] =	vst v63  }
0x93: {  	_ = 	snop  }
0x94: {  	[hbm4b:s22+s2] =	stream.linear.scatter [tilespmem:s12], [sflag:$0x2], $0x8000, $0x38;
	[tilespmem:$0x18000] =	vst v63  }
0x95: {  	_ =	swait.ge [sflag:s6], $0x8000  }
0x96: {  	[sflag:s6] =	ssyncset.done $0x0  }
0x97: {  	[sflag:s6] =	ssyncadd.s32 $0xFFFF8000  }
0x98: {  	[hbm4b:s23+s2] =	stream.linear.scatter [tilespmem:s2], [sflag:$0x2], $0x8000, $0x38;
	[tilespmem:$0x18000] =	vst v63  }
0x99: {  	_ = 	snop  }
0x9a: {  	[hbm4b:s24+s2] =	stream.linear.scatter [tilespmem:s2], [sflag:$0x2], $0x8000, $0x38;
	[tilespmem:$0x18000] =	vst v63  }
0x9b: {  	_ = 	snop  }
0x9c: {  	[hbm4b:s25+s2] =	stream.linear.scatter [tilespmem:s2], [sflag:$0x2], $0x8000, $0x38;
	[tilespmem:$0x18000] =	vst v63  }
0x9d: {  	_ = 	snop  }
0x9e: {  	[hbm4b:s26+s2] =	stream.linear.scatter [tilespmem:s2], [sflag:$0x2], $0x8000, $0x38;
	[tilespmem:$0x18000] =	vst v63  }
0x9f: {  	_ =	swait.ge [sflag:s16], $0x8000  }
0xa0: {  	[sflag:s16] =	ssyncset.done $0x0  }
0xa1: {  	[sflag:s16] =	ssyncadd.s32 $0xFFFF8000  }
0xa2: {  	_ =	swait.ge [sflag:s16], $0x8000  }
0xa3: {  	[sflag:s16] =	ssyncset.done $0x0  }
0xa4: {  	[sflag:s16] =	ssyncadd.s32 $0xFFFF8000  }
0xa5: {  	_ =	swait.ge [sflag:s16], $0x8000  }
0xa6: {  	[sflag:s16] =	ssyncset.done $0x0  }
0xa7: {  	[sflag:s16] =	ssyncadd.s32 $0xFFFF8000  }
0xa8: {  	_ =	swait.ge [sflag:s16], $0x8000  }
0xa9: {  	[sflag:s16] =	ssyncset.done $0x0  }
0xaa: {  	[sflag:s16] =	ssyncadd.s32 $0xFFFF8000  }
0xab: {  	_ =	swait.ge [sflag:s16], $0x8000  }
0xac: {  	[sflag:s16] =	ssyncset.done $0x0  }
0xad: {  	[sflag:s16] =	ssyncadd.s32 $0xFFFF8000  }
0xae: {  	_ =	swait.ge [sflag:s16], $0x8000  }
0xaf: {  	[sflag:s16] =	ssyncset.done $0x0  }
0xb0: {  	[sflag:s16] =	ssyncadd.s32 $0xFFFF8000  }
0xb1: {  	_ =	swait.ge [sflag:s16], $0x8000  }
0xb2: {  	[sflag:s16] =	ssyncset.done $0x0  }
0xb3: {  	[sflag:s16] =	ssyncadd.s32 $0xFFFF8000  }
0xb4: {  	_ =	swait.ge [sflag:s16], $0x8000  }
0xb5: {  	[sflag:s16] =	ssyncset.done $0x0  }
0xb6: {  	[sflag:s16] =	ssyncadd.s32 $0xFFFF8000  }
0xb7: {  	_ =	swait.ge [sflag:s16], $0x8000  }
0xb8: {  	[sflag:s16] =	ssyncset.done $0x0  }
0xb9: {  	[sflag:s16] =	ssyncadd.s32 $0xFFFF8000  }
0xba: {  	_ =	swait.ge [sflag:s16], $0x8000  }
0xbb: {  	[sflag:s16] =	ssyncset.done $0x0  }
0xbc: {  	[sflag:s16] =	ssyncadd.s32 $0xFFFF8000  }
.Ltmp1:
0xbd: {  	_ =	swait.ge [sflag:s16], $0x8000;
	(pc) =	sbr.rel @p0 .LBB2_1-.Ltmp1, $4  }
0xbe: {  	[sflag:s16] =	ssyncset.done $0x0  }
0xbf: {  	[sflag:s16] =	ssyncadd.s32 $0xFFFF8000  }
0xc0: {  	_ =	swait.ge [sflag:s16], $0x8000  }
0xc1: {  	[sflag:s16] =	ssyncset.done $0x0  }
.LBB2_2:
0xc2: {  	[sflag:s16] =	ssyncadd.s32 $0xFFFF8000  }
0xc3: {  	_ =	sfence.sel $0x180000  }
0xc4: {  	[bflag:$0x0] =	sbarrier.arrive $0xFFFF  }
0xc5: {  	p0 =	sne.s32 s1, $0x0;
	_ =	strace $0x90000047  }
0xc6: {  	s0 =	sadd.s32 @!p0 $0x100000, s0;
	[bflag:$0x2] =	sbarrier.arrive $0xFFFF  }
0xc7: {  	[sflag:s0] =	ssyncadd.tile.s32 @!p0 $0x1;
	_ =	shalt  }
.Lfunc_end2:
_tile_overlayer_lowered:
.L_overlay_start_2:
0xc8: {  	(tag) =	ssettag $0x2  }
0xc9: {  	s0 =	rddreg [dreg:$0x0];
	s2 =	stileid.u32  }
0xca: {  	s1 =	rddreg [dreg:$0x1];
	p0 =	sne.s32 s2, $0x0  }
0xcb: {  	s3 =	rddreg [dreg:$0x2];
	[bflag:$0x3] =	sbarrier.arrive $0xFFFF;
	s2 =	simm.s32 @!p0 $0x1C03  }
0xcc: {  	[timem:s3], [sflag:s2] =	dma.local @!p0 [hbm:s0], s1  }
0xcd: {  	s0 =	simm.s32 @!p0 $0x3  }
0xce: {  	_ =	swait.ge @!p0 [sflag:s0], s1  }
0xcf: {  	s1 =	ssub.s32 @!p0 $0x0, s1;
	[sflag:s0] =	ssyncset.done @!p0 $0x0  }
0xd0: {  	[sflag:s0] =	ssyncadd.s32 @!p0 s1  }
0xd1: {  	[bflag:$0x3] =	sbarrier.arrive $0xFFFF  }
0xd2: {  	_ =	shalt  }

</sc_bundles>
